<compile_context>
chip_gen: v7x
topology: tpu7x:2x2x1
jax: 0.10.2.dev20260603
libtpu: 0.0.44.dev20260713+nightly
codegen_flags: <defaults>
</compile_context>

<pallas_src>
import functools
import math

import jax
import jax.numpy as jnp
from jax import lax
from jax.experimental import pallas as pl
from jax.experimental.pallas import tpu as pltpu
from jax.experimental.pallas import tpu_sc as plsc

NB = 32
L = 16
CHUNK = 8000
NW = 32
TCBLK = 131072

_TPISQ = -2.0 * math.pi * math.pi


def _nchunks_for(wid, nchunks):
    return (nchunks // NW) + jnp.where(wid < (nchunks % NW), 1, 0)


def _binstats_body(nchunks, lr_h, bins_h, sums_h, cnts_h,
                   lr_v, bi_v, acc_s, acc_c):
    wid = lax.axis_index("s") * 2 + lax.axis_index("c")
    z16 = jnp.zeros((L,), jnp.float32)
    acc_s[pl.ds(0, L)] = z16
    acc_s[pl.ds(L, L)] = z16
    acc_c[pl.ds(0, L)] = z16
    acc_c[pl.ds(L, L)] = z16
    nw = _nchunks_for(wid, nchunks)

    def chunk_body(k, _):
        base = (wid + NW * k) * CHUNK
        pltpu.sync_copy(lr_h.at[pl.ds(base, CHUNK)], lr_v)
        pltpu.sync_copy(bins_h.at[pl.ds(base, CHUNK)], bi_v)
        b0 = bi_v[pl.ds(0, L)][0]
        b1 = bi_v[pl.ds(CHUNK - L, L)][L - 1]

        @pl.when(b0 == b1)
        def _single_bin():
            @plsc.parallel_loop(0, CHUNK // L, 1, unroll=8, carry=z16)
            def vbody(i, acc):
                return acc + lr_v[pl.ds(i * L, L)]
            tot = jnp.sum(vbody)
            iot = lax.iota(jnp.int32, L)
            mlo = iot == b0
            mhi = (iot + L) == b0
            acc_s[pl.ds(0, L)] = acc_s[pl.ds(0, L)] + jnp.where(mlo, tot, 0.0)
            acc_s[pl.ds(L, L)] = acc_s[pl.ds(L, L)] + jnp.where(mhi, tot, 0.0)
            cf = jnp.float32(CHUNK)
            acc_c[pl.ds(0, L)] = acc_c[pl.ds(0, L)] + jnp.where(mlo, cf, 0.0)
            acc_c[pl.ds(L, L)] = acc_c[pl.ds(L, L)] + jnp.where(mhi, cf, 0.0)

        @pl.when(b0 != b1)
        def _multi_bin():
            ones = jnp.full((L,), 1.0, jnp.float32)

            def vbody(i, c):
                sl = pl.ds(i * L, L)
                b = bi_v[sl]
                plsc.addupdate_scatter(acc_s, [b], lr_v[sl])
                plsc.addupdate_scatter(acc_c, [b], ones)
                return c
            lax.fori_loop(0, CHUNK // L, vbody, 0)
        return _

    lax.fori_loop(0, nw, chunk_body, 0)
    pltpu.sync_copy(acc_s, sums_h.at[wid])
    pltpu.sync_copy(acc_c, cnts_h.at[wid])


def _apply_body(nchunks, q_h, bins_h, sums_h, cnts_h, out_h,
                q_v, bi_v, o_v, sums_v, cnts_v, ls_v):
    wid = lax.axis_index("s") * 2 + lax.axis_index("c")
    z16 = jnp.zeros((L,), jnp.float32)

    pltpu.sync_copy(sums_h, sums_v)
    pltpu.sync_copy(cnts_h, cnts_v)
    s0 = z16
    s1 = z16
    c0 = z16
    c1 = z16
    for r in range(NW):
        s0 = s0 + sums_v[r, pl.ds(0, L)]
        s1 = s1 + sums_v[r, pl.ds(L, L)]
        c0 = c0 + cnts_v[r, pl.ds(0, L)]
        c1 = c1 + cnts_v[r, pl.ds(L, L)]
    ls_v[pl.ds(0, L)] = s0 / (c0 + 1e-6)
    ls_v[pl.ds(L, L)] = s1 / (c1 + 1e-6)

    nw = _nchunks_for(wid, nchunks)

    def chunk_body(k, _):
        base = (wid + NW * k) * CHUNK
        pltpu.sync_copy(q_h.at[pl.ds(base, CHUNK)], q_v)
        pltpu.sync_copy(bins_h.at[pl.ds(base, CHUNK)], bi_v)

        @plsc.parallel_loop(0, CHUNK // L, 1, unroll=8)
        def vbody(i):
            sl = pl.ds(i * L, L)
            ls = plsc.load_gather(ls_v, [bi_v[sl]])
            o_v[sl] = q_v[sl] * jnp.exp(ls)
        pltpu.sync_copy(o_v, out_h.at[pl.ds(base, CHUNK)])
        return _

    lax.fori_loop(0, nw, chunk_body, 0)


def _dense_body(u_ref, fc_ref, fo_ref, sx_ref, sy_ref, sz_ref,
                lr_ref, q_ref):
    fca = jnp.maximum(jnp.abs(fc_ref[...]), 0.001)
    foc = jnp.maximum(fo_ref[...], 0.001)
    lr_ref[...] = jnp.log(foc) - jnp.log(fca)
    cxx = _TPISQ * u_ref[0, 0]
    cyy = _TPISQ * u_ref[0, 1]
    czz = _TPISQ * u_ref[0, 2]
    cxy = 2.0 * _TPISQ * u_ref[0, 3]
    cxz = 2.0 * _TPISQ * u_ref[0, 4]
    cyz = 2.0 * _TPISQ * u_ref[0, 5]
    sx = sx_ref[...]
    sy = sy_ref[...]
    sz = sz_ref[...]
    expo = (cxx * sx * sx + cyy * sy * sy + czz * sz * sz
            + cxy * sx * sy + cxz * sx * sz + cyz * sy * sz)
    q_ref[...] = fca * jnp.exp(expo)


def kernel(fcalc, fobs, s, U, bins):
    n = fcalc.shape[0]
    assert n % CHUNK == 0, n
    nchunks = n // CHUNK
    bins32 = bins.astype(jnp.int32)
    sx = s[:, 0]
    sy = s[:, 1]
    sz = s[:, 2]
    u8 = jnp.pad(U.astype(jnp.float32), (0, 8 - U.shape[0])).reshape(1, 8)
    mesh = plsc.VectorSubcoreMesh(core_axis_name="c", subcore_axis_name="s",
                                  num_cores=2, num_subcores=16)
    f32 = jnp.float32

    blk1d = pl.BlockSpec((TCBLK,), lambda i: (i,))
    lr, q = pl.pallas_call(
        _dense_body,
        grid=(pl.cdiv(n, TCBLK),),
        in_specs=[pl.BlockSpec((1, 8), lambda i: (0, 0)),
                  blk1d, blk1d, blk1d, blk1d, blk1d],
        out_specs=(blk1d, blk1d),
        out_shape=(jax.ShapeDtypeStruct((n,), f32),
                   jax.ShapeDtypeStruct((n,), f32)),
    )(u8, fcalc, fobs, sx, sy, sz)

    kA = pl.kernel(
        functools.partial(_binstats_body, nchunks),
        out_type=(jax.ShapeDtypeStruct((NW, NB), f32),
                  jax.ShapeDtypeStruct((NW, NB), f32)),
        mesh=mesh,
        compiler_params=pltpu.CompilerParams(needs_layout_passes=False),
        scratch_types=[
            pltpu.VMEM((CHUNK,), f32),
            pltpu.VMEM((CHUNK,), jnp.int32),
            pltpu.VMEM((NB,), f32),
            pltpu.VMEM((NB,), f32),
        ],
    )
    sums, cnts = kA(lr, bins32)

    kB = pl.kernel(
        functools.partial(_apply_body, nchunks),
        out_type=jax.ShapeDtypeStruct((n,), f32),
        mesh=mesh,
        compiler_params=pltpu.CompilerParams(needs_layout_passes=False),
        scratch_types=[
            pltpu.VMEM((CHUNK,), f32),
            pltpu.VMEM((CHUNK,), jnp.int32),
            pltpu.VMEM((CHUNK,), f32),
            pltpu.VMEM((NW, NB), f32),
            pltpu.VMEM((NW, NB), f32),
            pltpu.VMEM((NB,), f32),
        ],
    )
    return kB(q, bins32, sums, cnts)

# --- scband reference (transcript-rebuilt; emitter-appended) ---
"""Pipeline reference for scband-scaler-86157043958374 (READ-ONLY COPY).

The authoritative reference and input builder live on the scoring server;
editing this copy changes nothing except your own understanding.
"""

import jax, jax.numpy as jnp
import numpy as np

NBINS = 20
N_REFL = 2_000_000


def u_to_matrix(U):
    # U = [U11, U22, U33, U12, U13, U23] -> symmetric 3x3 matrix
    row0 = jnp.stack([U[0], U[3], U[4]])
    row1 = jnp.stack([U[3], U[1], U[5]])
    row2 = jnp.stack([U[4], U[5], U[2]])
    return jnp.stack([row0, row1, row2])


def setup_inputs(seed: int = 0) -> dict:
    key = jax.random.key(seed)
    k1, k2, k3, k4, k5 = jax.random.split(key, 5)
    fcalc = jax.random.normal(k1, (N_REFL,), dtype=jnp.float32) * 10.0 + 50.0
    fobs = jax.random.uniform(k2, (N_REFL,), dtype=jnp.float32) * 100.0 + 1.0
    s = jax.random.normal(k3, (N_REFL, 3), dtype=jnp.float32) * 0.3
    U = jax.random.normal(k4, (6,), dtype=jnp.float32) * 0.001
    bins = jnp.sort(jax.random.randint(k5, (N_REFL,), 0, NBINS, dtype=jnp.int64))
    return {"fcalc": fcalc, "fobs": fobs, "s": s, "U": U, "bins": bins}


def reference(fcalc, fobs, s, U, bins):
    # --- calc_initial_scale: histogram binning of log ratios via scatter_add ---
    fcalc_amp = jnp.clip(jnp.abs(fcalc), 0.001, None)
    fobs_c = jnp.clip(fobs, 0.001, None)
    log_ratios = jnp.log(fobs_c) - jnp.log(fcalc_amp)
    bins_i32 = bins.astype(jnp.int32)
    sum_log_scales = jax.ops.segment_sum(log_ratios, bins_i32, num_segments=NBINS)
    counts = jax.ops.segment_sum(jnp.ones_like(log_ratios), bins_i32, num_segments=NBINS)
    log_scale = sum_log_scales / (counts + 1e-06)
    # --- anisotropy_correction ---
    Umat = u_to_matrix(U)
    expo = -2.0 * (np.pi ** 2) * jnp.einsum('ij,jk,ik->i', s, Umat, s)
    aniso = jnp.exp(expo)
    # --- forward: apply per-bin scale (gather) + anisotropy correction ---
    scaled_fcalc = fcalc_amp * jnp.exp(log_scale[bins_i32]) * aniso
    return scaled_fcalc

if __name__ == "__main__":
    import jax
    _d = setup_inputs()
    print(jax.jit(kernel)(*tuple(_d.values())))

</pallas_src>

<mosaic_0001>
#map = affine_map<(d0, d1) -> (0)>
#map1 = affine_map<(d0, d1) -> (0, 0)>
module attributes {stable_mosaic.version = 14 : i64} {
  func.func @_apply_body(%arg0: i32, %arg1: i32, %arg2: memref<2000000xf32, #tpu.memory_space<hbm>>, %arg3: memref<2000000xi32, #tpu.memory_space<hbm>>, %arg4: memref<32x32xf32, #tpu.memory_space<hbm>>, %arg5: memref<32x32xf32, #tpu.memory_space<hbm>>, %arg6: memref<2000000xf32, #tpu.memory_space<hbm>>, %arg7: memref<8000xf32, #tpu.memory_space<vmem>>, %arg8: memref<8000xi32, #tpu.memory_space<vmem>>, %arg9: memref<8000xf32, #tpu.memory_space<vmem>>, %arg10: memref<32x32xf32, #tpu.memory_space<vmem>>, %arg11: memref<32x32xf32, #tpu.memory_space<vmem>>, %arg12: memref<32xf32, #tpu.memory_space<vmem>>) attributes {dimension_semantics = [#tpu.dimension_semantics<core_parallel>, #tpu.dimension_semantics<subcore_parallel>], iteration_bounds = array<i64: 2, 16>, scalar_prefetch = 0 : i64, scratch_operands = 6 : i64, tpu.core_type = #tpu.core_type<sc_vector_subcore>, window_params = [{transform_indices = #map}, {transform_indices = #map}, {transform_indices = #map1}, {transform_indices = #map1}, {transform_indices = #map}]} {
    %mul3A = arith.constant 2 : i32
    %mul3A_0 = arith.muli %arg1, %mul3A : i32
    %add3A = arith.addi %mul3A_0, %arg0 : i32
    %broadcast_in_dim3A = arith.constant 0.000000e+00 : f32
    %broadcast_in_dim3A_1 = vector.broadcast %broadcast_in_dim3A : f32 to vector<16xf32>
    "tpu.region"() ({
      %run_scoped3A = tpu.sem_alloc : memref<!tpu.dma_semaphore, #tpu.memory_space<semaphore_mem>>
      tpu.enqueue_dma source(%arg4 : memref<32x32xf32, #tpu.memory_space<hbm>>) target(%arg10 : memref<32x32xf32, #tpu.memory_space<vmem>>) target_semaphore(%run_scoped3A : memref<!tpu.dma_semaphore, #tpu.memory_space<semaphore_mem>>)
      tpu.wait_dma2 semaphore(%run_scoped3A : memref<!tpu.dma_semaphore, #tpu.memory_space<semaphore_mem>>) src(%arg4 : memref<32x32xf32, #tpu.memory_space<hbm>>) dst(%arg10 : memref<32x32xf32, #tpu.memory_space<vmem>>)
      tpu.yield
    }) : () -> ()
    "tpu.region"() ({
      %run_scoped3A = tpu.sem_alloc : memref<!tpu.dma_semaphore, #tpu.memory_space<semaphore_mem>>
      tpu.enqueue_dma source(%arg5 : memref<32x32xf32, #tpu.memory_space<hbm>>) target(%arg11 : memref<32x32xf32, #tpu.memory_space<vmem>>) target_semaphore(%run_scoped3A : memref<!tpu.dma_semaphore, #tpu.memory_space<semaphore_mem>>)
      tpu.wait_dma2 semaphore(%run_scoped3A : memref<!tpu.dma_semaphore, #tpu.memory_space<semaphore_mem>>) src(%arg5 : memref<32x32xf32, #tpu.memory_space<hbm>>) dst(%arg11 : memref<32x32xf32, #tpu.memory_space<vmem>>)
      tpu.yield
    }) : () -> ()
    %get3A = arith.constant 0 : i32
    %get3A_2 = arith.index_cast %get3A : i32 to index
    %get3A_3 = arith.constant 0 : index
    %get3A_4 = tpu.vector_load %arg10[%get3A_2, %get3A_3] {strides = array<i32>} : memref<32x32xf32, #tpu.memory_space<vmem>>, vector<16xf32>,
    %add3A_5 = arith.addf %broadcast_in_dim3A_1, %get3A_4 : vector<16xf32>
    %get3A_6 = arith.constant 0 : i32
    %get3A_7 = arith.index_cast %get3A_6 : i32 to index
    %get3A_8 = arith.constant 16 : index
    %get3A_9 = tpu.vector_load %arg10[%get3A_7, %get3A_8] {strides = array<i32>} : memref<32x32xf32, #tpu.memory_space<vmem>>, vector<16xf32>,
    %add3A_10 = arith.addf %broadcast_in_dim3A_1, %get3A_9 : vector<16xf32>
    %get3A_11 = arith.constant 0 : i32
    %get3A_12 = arith.index_cast %get3A_11 : i32 to index
    %get3A_13 = arith.constant 0 : index
    %get3A_14 = tpu.vector_load %arg11[%get3A_12, %get3A_13] {strides = array<i32>} : memref<32x32xf32, #tpu.memory_space<vmem>>, vector<16xf32>,
    %add3A_15 = arith.addf %broadcast_in_dim3A_1, %get3A_14 : vector<16xf32>
    %get3A_16 = arith.constant 0 : i32
    %get3A_17 = arith.index_cast %get3A_16 : i32 to index
    %get3A_18 = arith.constant 16 : index
    %get3A_19 = tpu.vector_load %arg11[%get3A_17, %get3A_18] {strides = array<i32>} : memref<32x32xf32, #tpu.memory_space<vmem>>, vector<16xf32>,
    %add3A_20 = arith.addf %broadcast_in_dim3A_1, %get3A_19 : vector<16xf32>
    %get3A_21 = arith.constant 1 : i32
    %get3A_22 = arith.index_cast %get3A_21 : i32 to index
    %get3A_23 = arith.constant 0 : index
    %get3A_24 = tpu.vector_load %arg10[%get3A_22, %get3A_23] {strides = array<i32>} : memref<32x32xf32, #tpu.memory_space<vmem>>, vector<16xf32>,
    %add3A_25 = arith.addf %add3A_5, %get3A_24 : vector<16xf32>
    %get3A_26 = arith.constant 1 : i32
    %get3A_27 = arith.index_cast %get3A_26 : i32 to index
    %get3A_28 = arith.constant 16 : index
    %get3A_29 = tpu.vector_load %arg10[%get3A_27, %get3A_28] {strides = array<i32>} : memref<32x32xf32, #tpu.memory_space<vmem>>, vector<16xf32>,
    %add3A_30 = arith.addf %add3A_10, %get3A_29 : vector<16xf32>
    %get3A_31 = arith.constant 1 : i32
    %get3A_32 = arith.index_cast %get3A_31 : i32 to index
    %get3A_33 = arith.constant 0 : index
    %get3A_34 = tpu.vector_load %arg11[%get3A_32, %get3A_33] {strides = array<i32>} : memref<32x32xf32, #tpu.memory_space<vmem>>, vector<16xf32>,
    %add3A_35 = arith.addf %add3A_15, %get3A_34 : vector<16xf32>
    %get3A_36 = arith.constant 1 : i32
    %get3A_37 = arith.index_cast %get3A_36 : i32 to index
    %get3A_38 = arith.constant 16 : index
    %get3A_39 = tpu.vector_load %arg11[%get3A_37, %get3A_38] {strides = array<i32>} : memref<32x32xf32, #tpu.memory_space<vmem>>, vector<16xf32>,
    %add3A_40 = arith.addf %add3A_20, %get3A_39 : vector<16xf32>
    %get3A_41 = arith.constant 2 : i32
    %get3A_42 = arith.index_cast %get3A_41 : i32 to index
    %get3A_43 = arith.constant 0 : index
    %get3A_44 = tpu.vector_load %arg10[%get3A_42, %get3A_43] {strides = array<i32>} : memref<32x32xf32, #tpu.memory_space<vmem>>, vector<16xf32>,
    %add3A_45 = arith.addf %add3A_25, %get3A_44 : vector<16xf32>
    %get3A_46 = arith.constant 2 : i32
    %get3A_47 = arith.index_cast %get3A_46 : i32 to index
    %get3A_48 = arith.constant 16 : index
    %get3A_49 = tpu.vector_load %arg10[%get3A_47, %get3A_48] {strides = array<i32>} : memref<32x32xf32, #tpu.memory_space<vmem>>, vector<16xf32>,
    %add3A_50 = arith.addf %add3A_30, %get3A_49 : vector<16xf32>
    %get3A_51 = arith.constant 2 : i32
    %get3A_52 = arith.index_cast %get3A_51 : i32 to index
    %get3A_53 = arith.constant 0 : index
    %get3A_54 = tpu.vector_load %arg11[%get3A_52, %get3A_53] {strides = array<i32>} : memref<32x32xf32, #tpu.memory_space<vmem>>, vector<16xf32>,
    %add3A_55 = arith.addf %add3A_35, %get3A_54 : vector<16xf32>
    %get3A_56 = arith.constant 2 : i32
    %get3A_57 = arith.index_cast %get3A_56 : i32 to index
    %get3A_58 = arith.constant 16 : index
    %get3A_59 = tpu.vector_load %arg11[%get3A_57, %get3A_58] {strides = array<i32>} : memref<32x32xf32, #tpu.memory_space<vmem>>, vector<16xf32>,
    %add3A_60 = arith.addf %add3A_40, %get3A_59 : vector<16xf32>
    %get3A_61 = arith.constant 3 : i32
    %get3A_62 = arith.index_cast %get3A_61 : i32 to index
    %get3A_63 = arith.constant 0 : index
    %get3A_64 = tpu.vector_load %arg10[%get3A_62, %get3A_63] {strides = array<i32>} : memref<32x32xf32, #tpu.memory_space<vmem>>, vector<16xf32>,
    %add3A_65 = arith.addf %add3A_45, %get3A_64 : vector<16xf32>
    %get3A_66 = arith.constant 3 : i32
    %get3A_67 = arith.index_cast %get3A_66 : i32 to index
    %get3A_68 = arith.constant 16 : index
    %get3A_69 = tpu.vector_load %arg10[%get3A_67, %get3A_68] {strides = array<i32>} : memref<32x32xf32, #tpu.memory_space<vmem>>, vector<16xf32>,
    %add3A_70 = arith.addf %add3A_50, %get3A_69 : vector<16xf32>
    %get3A_71 = arith.constant 3 : i32
    %get3A_72 = arith.index_cast %get3A_71 : i32 to index
    %get3A_73 = arith.constant 0 : index
    %get3A_74 = tpu.vector_load %arg11[%get3A_72, %get3A_73] {strides = array<i32>} : memref<32x32xf32, #tpu.memory_space<vmem>>, vector<16xf32>,
    %add3A_75 = arith.addf %add3A_55, %get3A_74 : vector<16xf32>
    %get3A_76 = arith.constant 3 : i32
    %get3A_77 = arith.index_cast %get3A_76 : i32 to index
    %get3A_78 = arith.constant 16 : index
    %get3A_79 = tpu.vector_load %arg11[%get3A_77, %get3A_78] {strides = array<i32>} : memref<32x32xf32, #tpu.memory_space<vmem>>, vector<16xf32>,
    %add3A_80 = arith.addf %add3A_60, %get3A_79 : vector<16xf32>
    %get3A_81 = arith.constant 4 : i32
    %get3A_82 = arith.index_cast %get3A_81 : i32 to index
    %get3A_83 = arith.constant 0 : index
    %get3A_84 = tpu.vector_load %arg10[%get3A_82, %get3A_83] {strides = array<i32>} : memref<32x32xf32, #tpu.memory_space<vmem>>, vector<16xf32>,
    %add3A_85 = arith.addf %add3A_65, %get3A_84 : vector<16xf32>
    %get3A_86 = arith.constant 4 : i32
    %get3A_87 = arith.index_cast %get3A_86 : i32 to index
    %get3A_88 = arith.constant 16 : index
    %get3A_89 = tpu.vector_load %arg10[%get3A_87, %get3A_88] {strides = array<i32>} : memref<32x32xf32, #tpu.memory_space<vmem>>, vector<16xf32>,
    %add3A_90 = arith.addf %add3A_70, %get3A_89 : vector<16xf32>
    %get3A_91 = arith.constant 4 : i32
    %get3A_92 = arith.index_cast %get3A_91 : i32 to index
    %get3A_93 = arith.constant 0 : index
    %get3A_94 = tpu.vector_load %arg11[%get3A_92, %get3A_93] {strides = array<i32>} : memref<32x32xf32, #tpu.memory_space<vmem>>, vector<16xf32>,
    %add3A_95 = arith.addf %add3A_75, %get3A_94 : vector<16xf32>
    %get3A_96 = arith.constant 4 : i32
    %get3A_97 = arith.index_cast %get3A_96 : i32 to index
    %get3A_98 = arith.constant 16 : index
    %get3A_99 = tpu.vector_load %arg11[%get3A_97, %get3A_98] {strides = array<i32>} : memref<32x32xf32, #tpu.memory_space<vmem>>, vector<16xf32>,
    %add3A_100 = arith.addf %add3A_80, %get3A_99 : vector<16xf32>
    %get3A_101 = arith.constant 5 : i32
    %get3A_102 = arith.index_cast %get3A_101 : i32 to index
    %get3A_103 = arith.constant 0 : index
    %get3A_104 = tpu.vector_load %arg10[%get3A_102, %get3A_103] {strides = array<i32>} : memref<32x32xf32, #tpu.memory_space<vmem>>, vector<16xf32>,
    %add3A_105 = arith.addf %add3A_85, %get3A_104 : vector<16xf32>
    %get3A_106 = arith.constant 5 : i32
    %get3A_107 = arith.index_cast %get3A_106 : i32 to index
    %get3A_108 = arith.constant 16 : index
    %get3A_109 = tpu.vector_load %arg10[%get3A_107, %get3A_108] {strides = array<i32>} : memref<32x32xf32, #tpu.memory_space<vmem>>, vector<16xf32>,
    %add3A_110 = arith.addf %add3A_90, %get3A_109 : vector<16xf32>
    %get3A_111 = arith.constant 5 : i32
    %get3A_112 = arith.index_cast %get3A_111 : i32 to index
    %get3A_113 = arith.constant 0 : index
    %get3A_114 = tpu.vector_load %arg11[%get3A_112, %get3A_113] {strides = array<i32>} : memref<32x32xf32, #tpu.memory_space<vmem>>, vector<16xf32>,
    %add3A_115 = arith.addf %add3A_95, %get3A_114 : vector<16xf32>
    %get3A_116 = arith.constant 5 : i32
    %get3A_117 = arith.index_cast %get3A_116 : i32 to index
    %get3A_118 = arith.constant 16 : index
    %get3A_119 = tpu.vector_load %arg11[%get3A_117, %get3A_118] {strides = array<i32>} : memref<32x32xf32, #tpu.memory_space<vmem>>, vector<16xf32>,
    %add3A_120 = arith.addf %add3A_100, %get3A_119 : vector<16xf32>
    %get3A_121 = arith.constant 6 : i32
    %get3A_122 = arith.index_cast %get3A_121 : i32 to index
    %get3A_123 = arith.constant 0 : index
    %get3A_124 = tpu.vector_load %arg10[%get3A_122, %get3A_123] {strides = array<i32>} : memref<32x32xf32, #tpu.memory_space<vmem>>, vector<16xf32>,
    %add3A_125 = arith.addf %add3A_105, %get3A_124 : vector<16xf32>
    %get3A_126 = arith.constant 6 : i32
    %get3A_127 = arith.index_cast %get3A_126 : i32 to index
    %get3A_128 = arith.constant 16 : index
    %get3A_129 = tpu.vector_load %arg10[%get3A_127, %get3A_128] {strides = array<i32>} : memref<32x32xf32, #tpu.memory_space<vmem>>, vector<16xf32>,
    %add3A_130 = arith.addf %add3A_110, %get3A_129 : vector<16xf32>
    %get3A_131 = arith.constant 6 : i32
    %get3A_132 = arith.index_cast %get3A_131 : i32 to index
    %get3A_133 = arith.constant 0 : index
    %get3A_134 = tpu.vector_load %arg11[%get3A_132, %get3A_133] {strides = array<i32>} : memref<32x32xf32, #tpu.memory_space<vmem>>, vector<16xf32>,
    %add3A_135 = arith.addf %add3A_115, %get3A_134 : vector<16xf32>
    %get3A_136 = arith.constant 6 : i32
    %get3A_137 = arith.index_cast %get3A_136 : i32 to index
    %get3A_138 = arith.constant 16 : index
    %get3A_139 = tpu.vector_load %arg11[%get3A_137, %get3A_138] {strides = array<i32>} : memref<32x32xf32, #tpu.memory_space<vmem>>, vector<16xf32>,
    %add3A_140 = arith.addf %add3A_120, %get3A_139 : vector<16xf32>
    %get3A_141 = arith.constant 7 : i32
    %get3A_142 = arith.index_cast %get3A_141 : i32 to index
    %get3A_143 = arith.constant 0 : index
    %get3A_144 = tpu.vector_load %arg10[%get3A_142, %get3A_143] {strides = array<i32>} : memref<32x32xf32, #tpu.memory_space<vmem>>, vector<16xf32>,
    %add3A_145 = arith.addf %add3A_125, %get3A_144 : vector<16xf32>
    %get3A_146 = arith.constant 7 : i32
    %get3A_147 = arith.index_cast %get3A_146 : i32 to index
    %get3A_148 = arith.constant 16 : index
    %get3A_149 = tpu.vector_load %arg10[%get3A_147, %get3A_148] {strides = array<i32>} : memref<32x32xf32, #tpu.memory_space<vmem>>, vector<16xf32>,
    %add3A_150 = arith.addf %add3A_130, %get3A_149 : vector<16xf32>
    %get3A_151 = arith.constant 7 : i32
    %get3A_152 = arith.index_cast %get3A_151 : i32 to index
    %get3A_153 = arith.constant 0 : index
    %get3A_154 = tpu.vector_load %arg11[%get3A_152, %get3A_153] {strides = array<i32>} : memref<32x32xf32, #tpu.memory_space<vmem>>, vector<16xf32>,
    %add3A_155 = arith.addf %add3A_135, %get3A_154 : vector<16xf32>
    %get3A_156 = arith.constant 7 : i32
    %get3A_157 = arith.index_cast %get3A_156 : i32 to index
    %get3A_158 = arith.constant 16 : index
    %get3A_159 = tpu.vector_load %arg11[%get3A_157, %get3A_158] {strides = array<i32>} : memref<32x32xf32, #tpu.memory_space<vmem>>, vector<16xf32>,
    %add3A_160 = arith.addf %add3A_140, %get3A_159 : vector<16xf32>
    %get3A_161 = arith.constant 8 : i32
    %get3A_162 = arith.index_cast %get3A_161 : i32 to index
    %get3A_163 = arith.constant 0 : index
    %get3A_164 = tpu.vector_load %arg10[%get3A_162, %get3A_163] {strides = array<i32>} : memref<32x32xf32, #tpu.memory_space<vmem>>, vector<16xf32>,
    %add3A_165 = arith.addf %add3A_145, %get3A_164 : vector<16xf32>
    %get3A_166 = arith.constant 8 : i32
    %get3A_167 = arith.index_cast %get3A_166 : i32 to index
    %get3A_168 = arith.constant 16 : index
    %get3A_169 = tpu.vector_load %arg10[%get3A_167, %get3A_168] {strides = array<i32>} : memref<32x32xf32, #tpu.memory_space<vmem>>, vector<16xf32>,
    %add3A_170 = arith.addf %add3A_150, %get3A_169 : vector<16xf32>
    %get3A_171 = arith.constant 8 : i32
    %get3A_172 = arith.index_cast %get3A_171 : i32 to index
    %get3A_173 = arith.constant 0 : index
    %get3A_174 = tpu.vector_load %arg11[%get3A_172, %get3A_173] {strides = array<i32>} : memref<32x32xf32, #tpu.memory_space<vmem>>, vector<16xf32>,
    %add3A_175 = arith.addf %add3A_155, %get3A_174 : vector<16xf32>
    %get3A_176 = arith.constant 8 : i32
    %get3A_177 = arith.index_cast %get3A_176 : i32 to index
    %get3A_178 = arith.constant 16 : index
    %get3A_179 = tpu.vector_load %arg11[%get3A_177, %get3A_178] {strides = array<i32>} : memref<32x32xf32, #tpu.memory_space<vmem>>, vector<16xf32>,
    %add3A_180 = arith.addf %add3A_160, %get3A_179 : vector<16xf32>
    %get3A_181 = arith.constant 9 : i32
    %get3A_182 = arith.index_cast %get3A_181 : i32 to index
    %get3A_183 = arith.constant 0 : index
    %get3A_184 = tpu.vector_load %arg10[%get3A_182, %get3A_183] {strides = array<i32>} : memref<32x32xf32, #tpu.memory_space<vmem>>, vector<16xf32>,
    %add3A_185 = arith.addf %add3A_165, %get3A_184 : vector<16xf32>
    %get3A_186 = arith.constant 9 : i32
    %get3A_187 = arith.index_cast %get3A_186 : i32 to index
    %get3A_188 = arith.constant 16 : index
    %get3A_189 = tpu.vector_load %arg10[%get3A_187, %get3A_188] {strides = array<i32>} : memref<32x32xf32, #tpu.memory_space<vmem>>, vector<16xf32>,
    %add3A_190 = arith.addf %add3A_170, %get3A_189 : vector<16xf32>
    %get3A_191 = arith.constant 9 : i32
    %get3A_192 = arith.index_cast %get3A_191 : i32 to index
    %get3A_193 = arith.constant 0 : index
    %get3A_194 = tpu.vector_load %arg11[%get3A_192, %get3A_193] {strides = array<i32>} : memref<32x32xf32, #tpu.memory_space<vmem>>, vector<16xf32>,
    %add3A_195 = arith.addf %add3A_175, %get3A_194 : vector<16xf32>
    %get3A_196 = arith.constant 9 : i32
    %get3A_197 = arith.index_cast %get3A_196 : i32 to index
    %get3A_198 = arith.constant 16 : index
    %get3A_199 = tpu.vector_load %arg11[%get3A_197, %get3A_198] {strides = array<i32>} : memref<32x32xf32, #tpu.memory_space<vmem>>, vector<16xf32>,
    %add3A_200 = arith.addf %add3A_180, %get3A_199 : vector<16xf32>
    %get3A_201 = arith.constant 10 : i32
    %get3A_202 = arith.index_cast %get3A_201 : i32 to index
    %get3A_203 = arith.constant 0 : index
    %get3A_204 = tpu.vector_load %arg10[%get3A_202, %get3A_203] {strides = array<i32>} : memref<32x32xf32, #tpu.memory_space<vmem>>, vector<16xf32>,
    %add3A_205 = arith.addf %add3A_185, %get3A_204 : vector<16xf32>
    %get3A_206 = arith.constant 10 : i32
    %get3A_207 = arith.index_cast %get3A_206 : i32 to index
    %get3A_208 = arith.constant 16 : index
    %get3A_209 = tpu.vector_load %arg10[%get3A_207, %get3A_208] {strides = array<i32>} : memref<32x32xf32, #tpu.memory_space<vmem>>, vector<16xf32>,
    %add3A_210 = arith.addf %add3A_190, %get3A_209 : vector<16xf32>
    %get3A_211 = arith.constant 10 : i32
    %get3A_212 = arith.index_cast %get3A_211 : i32 to index
    %get3A_213 = arith.constant 0 : index
    %get3A_214 = tpu.vector_load %arg11[%get3A_212, %get3A_213] {strides = array<i32>} : memref<32x32xf32, #tpu.memory_space<vmem>>, vector<16xf32>,
    %add3A_215 = arith.addf %add3A_195, %get3A_214 : vector<16xf32>
    %get3A_216 = arith.constant 10 : i32
    %get3A_217 = arith.index_cast %get3A_216 : i32 to index
    %get3A_218 = arith.constant 16 : index
    %get3A_219 = tpu.vector_load %arg11[%get3A_217, %get3A_218] {strides = array<i32>} : memref<32x32xf32, #tpu.memory_space<vmem>>, vector<16xf32>,
    %add3A_220 = arith.addf %add3A_200, %get3A_219 : vector<16xf32>
    %get3A_221 = arith.constant 11 : i32
    %get3A_222 = arith.index_cast %get3A_221 : i32 to index
    %get3A_223 = arith.constant 0 : index
    %get3A_224 = tpu.vector_load %arg10[%get3A_222, %get3A_223] {strides = array<i32>} : memref<32x32xf32, #tpu.memory_space<vmem>>, vector<16xf32>,
    %add3A_225 = arith.addf %add3A_205, %get3A_224 : vector<16xf32>
    %get3A_226 = arith.constant 11 : i32
    %get3A_227 = arith.index_cast %get3A_226 : i32 to index
    %get3A_228 = arith.constant 16 : index
    %get3A_229 = tpu.vector_load %arg10[%get3A_227, %get3A_228] {strides = array<i32>} : memref<32x32xf32, #tpu.memory_space<vmem>>, vector<16xf32>,
    %add3A_230 = arith.addf %add3A_210, %get3A_229 : vector<16xf32>
    %get3A_231 = arith.constant 11 : i32
    %get3A_232 = arith.index_cast %get3A_231 : i32 to index
    %get3A_233 = arith.constant 0 : index
    %get3A_234 = tpu.vector_load %arg11[%get3A_232, %get3A_233] {strides = array<i32>} : memref<32x32xf32, #tpu.memory_space<vmem>>, vector<16xf32>,
    %add3A_235 = arith.addf %add3A_215, %get3A_234 : vector<16xf32>
    %get3A_236 = arith.constant 11 : i32
    %get3A_237 = arith.index_cast %get3A_236 : i32 to index
    %get3A_238 = arith.constant 16 : index
    %get3A_239 = tpu.vector_load %arg11[%get3A_237, %get3A_238] {strides = array<i32>} : memref<32x32xf32, #tpu.memory_space<vmem>>, vector<16xf32>,
    %add3A_240 = arith.addf %add3A_220, %get3A_239 : vector<16xf32>
    %get3A_241 = arith.constant 12 : i32
    %get3A_242 = arith.index_cast %get3A_241 : i32 to index
    %get3A_243 = arith.constant 0 : index
    %get3A_244 = tpu.vector_load %arg10[%get3A_242, %get3A_243] {strides = array<i32>} : memref<32x32xf32, #tpu.memory_space<vmem>>, vector<16xf32>,
    %add3A_245 = arith.addf %add3A_225, %get3A_244 : vector<16xf32>
    %get3A_246 = arith.constant 12 : i32
    %get3A_247 = arith.index_cast %get3A_246 : i32 to index
    %get3A_248 = arith.constant 16 : index
    %get3A_249 = tpu.vector_load %arg10[%get3A_247, %get3A_248] {strides = array<i32>} : memref<32x32xf32, #tpu.memory_space<vmem>>, vector<16xf32>,
    %add3A_250 = arith.addf %add3A_230, %get3A_249 : vector<16xf32>
    %get3A_251 = arith.constant 12 : i32
    %get3A_252 = arith.index_cast %get3A_251 : i32 to index
    %get3A_253 = arith.constant 0 : index
    %get3A_254 = tpu.vector_load %arg11[%get3A_252, %get3A_253] {strides = array<i32>} : memref<32x32xf32, #tpu.memory_space<vmem>>, vector<16xf32>,
    %add3A_255 = arith.addf %add3A_235, %get3A_254 : vector<16xf32>
    %get3A_256 = arith.constant 12 : i32
    %get3A_257 = arith.index_cast %get3A_256 : i32 to index
    %get3A_258 = arith.constant 16 : index
    %get3A_259 = tpu.vector_load %arg11[%get3A_257, %get3A_258] {strides = array<i32>} : memref<32x32xf32, #tpu.memory_space<vmem>>, vector<16xf32>,
    %add3A_260 = arith.addf %add3A_240, %get3A_259 : vector<16xf32>
    %get3A_261 = arith.constant 13 : i32
    %get3A_262 = arith.index_cast %get3A_261 : i32 to index
    %get3A_263 = arith.constant 0 : index
    %get3A_264 = tpu.vector_load %arg10[%get3A_262, %get3A_263] {strides = array<i32>} : memref<32x32xf32, #tpu.memory_space<vmem>>, vector<16xf32>,
    %add3A_265 = arith.addf %add3A_245, %get3A_264 : vector<16xf32>
    %get3A_266 = arith.constant 13 : i32
    %get3A_267 = arith.index_cast %get3A_266 : i32 to index
    %get3A_268 = arith.constant 16 : index
    %get3A_269 = tpu.vector_load %arg10[%get3A_267, %get3A_268] {strides = array<i32>} : memref<32x32xf32, #tpu.memory_space<vmem>>, vector<16xf32>,
    %add3A_270 = arith.addf %add3A_250, %get3A_269 : vector<16xf32>
    %get3A_271 = arith.constant 13 : i32
    %get3A_272 = arith.index_cast %get3A_271 : i32 to index
    %get3A_273 = arith.constant 0 : index
    %get3A_274 = tpu.vector_load %arg11[%get3A_272, %get3A_273] {strides = array<i32>} : memref<32x32xf32, #tpu.memory_space<vmem>>, vector<16xf32>,
    %add3A_275 = arith.addf %add3A_255, %get3A_274 : vector<16xf32>
    %get3A_276 = arith.constant 13 : i32
    %get3A_277 = arith.index_cast %get3A_276 : i32 to index
    %get3A_278 = arith.constant 16 : index
    %get3A_279 = tpu.vector_load %arg11[%get3A_277, %get3A_278] {strides = array<i32>} : memref<32x32xf32, #tpu.memory_space<vmem>>, vector<16xf32>,
    %add3A_280 = arith.addf %add3A_260, %get3A_279 : vector<16xf32>
    %get3A_281 = arith.constant 14 : i32
    %get3A_282 = arith.index_cast %get3A_281 : i32 to index
    %get3A_283 = arith.constant 0 : index
    %get3A_284 = tpu.vector_load %arg10[%get3A_282, %get3A_283] {strides = array<i32>} : memref<32x32xf32, #tpu.memory_space<vmem>>, vector<16xf32>,
    %add3A_285 = arith.addf %add3A_265, %get3A_284 : vector<16xf32>
    %get3A_286 = arith.constant 14 : i32
    %get3A_287 = arith.index_cast %get3A_286 : i32 to index
    %get3A_288 = arith.constant 16 : index
    %get3A_289 = tpu.vector_load %arg10[%get3A_287, %get3A_288] {strides = array<i32>} : memref<32x32xf32, #tpu.memory_space<vmem>>, vector<16xf32>,
    %add3A_290 = arith.addf %add3A_270, %get3A_289 : vector<16xf32>
    %get3A_291 = arith.constant 14 : i32
    %get3A_292 = arith.index_cast %get3A_291 : i32 to index
    %get3A_293 = arith.constant 0 : index
    %get3A_294 = tpu.vector_load %arg11[%get3A_292, %get3A_293] {strides = array<i32>} : memref<32x32xf32, #tpu.memory_space<vmem>>, vector<16xf32>,
    %add3A_295 = arith.addf %add3A_275, %get3A_294 : vector<16xf32>
    %get3A_296 = arith.constant 14 : i32
    %get3A_297 = arith.index_cast %get3A_296 : i32 to index
    %get3A_298 = arith.constant 16 : index
    %get3A_299 = tpu.vector_load %arg11[%get3A_297, %get3A_298] {strides = array<i32>} : memref<32x32xf32, #tpu.memory_space<vmem>>, vector<16xf32>,
    %add3A_300 = arith.addf %add3A_280, %get3A_299 : vector<16xf32>
    %get3A_301 = arith.constant 15 : i32
    %get3A_302 = arith.index_cast %get3A_301 : i32 to index
    %get3A_303 = arith.constant 0 : index
    %get3A_304 = tpu.vector_load %arg10[%get3A_302, %get3A_303] {strides = array<i32>} : memref<32x32xf32, #tpu.memory_space<vmem>>, vector<16xf32>,
    %add3A_305 = arith.addf %add3A_285, %get3A_304 : vector<16xf32>
    %get3A_306 = arith.constant 15 : i32
    %get3A_307 = arith.index_cast %get3A_306 : i32 to index
    %get3A_308 = arith.constant 16 : index
    %get3A_309 = tpu.vector_load %arg10[%get3A_307, %get3A_308] {strides = array<i32>} : memref<32x32xf32, #tpu.memory_space<vmem>>, vector<16xf32>,
    %add3A_310 = arith.addf %add3A_290, %get3A_309 : vector<16xf32>
    %get3A_311 = arith.constant 15 : i32
    %get3A_312 = arith.index_cast %get3A_311 : i32 to index
    %get3A_313 = arith.constant 0 : index
    %get3A_314 = tpu.vector_load %arg11[%get3A_312, %get3A_313] {strides = array<i32>} : memref<32x32xf32, #tpu.memory_space<vmem>>, vector<16xf32>,
    %add3A_315 = arith.addf %add3A_295, %get3A_314 : vector<16xf32>
    %get3A_316 = arith.constant 15 : i32
    %get3A_317 = arith.index_cast %get3A_316 : i32 to index
    %get3A_318 = arith.constant 16 : index
    %get3A_319 = tpu.vector_load %arg11[%get3A_317, %get3A_318] {strides = array<i32>} : memref<32x32xf32, #tpu.memory_space<vmem>>, vector<16xf32>,
    %add3A_320 = arith.addf %add3A_300, %get3A_319 : vector<16xf32>
    %get3A_321 = arith.constant 16 : i32
    %get3A_322 = arith.index_cast %get3A_321 : i32 to index
    %get3A_323 = arith.constant 0 : index
    %get3A_324 = tpu.vector_load %arg10[%get3A_322, %get3A_323] {strides = array<i32>} : memref<32x32xf32, #tpu.memory_space<vmem>>, vector<16xf32>,
    %add3A_325 = arith.addf %add3A_305, %get3A_324 : vector<16xf32>
    %get3A_326 = arith.constant 16 : i32
    %get3A_327 = arith.index_cast %get3A_326 : i32 to index
    %get3A_328 = arith.constant 16 : index
    %get3A_329 = tpu.vector_load %arg10[%get3A_327, %get3A_328] {strides = array<i32>} : memref<32x32xf32, #tpu.memory_space<vmem>>, vector<16xf32>,
    %add3A_330 = arith.addf %add3A_310, %get3A_329 : vector<16xf32>
    %get3A_331 = arith.constant 16 : i32
    %get3A_332 = arith.index_cast %get3A_331 : i32 to index
    %get3A_333 = arith.constant 0 : index
    %get3A_334 = tpu.vector_load %arg11[%get3A_332, %get3A_333] {strides = array<i32>} : memref<32x32xf32, #tpu.memory_space<vmem>>, vector<16xf32>,
    %add3A_335 = arith.addf %add3A_315, %get3A_334 : vector<16xf32>
    %get3A_336 = arith.constant 16 : i32
    %get3A_337 = arith.index_cast %get3A_336 : i32 to index
    %get3A_338 = arith.constant 16 : index
    %get3A_339 = tpu.vector_load %arg11[%get3A_337, %get3A_338] {strides = array<i32>} : memref<32x32xf32, #tpu.memory_space<vmem>>, vector<16xf32>,
    %add3A_340 = arith.addf %add3A_320, %get3A_339 : vector<16xf32>
    %get3A_341 = arith.constant 17 : i32
    %get3A_342 = arith.index_cast %get3A_341 : i32 to index
    %get3A_343 = arith.constant 0 : index
    %get3A_344 = tpu.vector_load %arg10[%get3A_342, %get3A_343] {strides = array<i32>} : memref<32x32xf32, #tpu.memory_space<vmem>>, vector<16xf32>,
    %add3A_345 = arith.addf %add3A_325, %get3A_344 : vector<16xf32>
    %get3A_346 = arith.constant 17 : i32
    %get3A_347 = arith.index_cast %get3A_346 : i32 to index
    %get3A_348 = arith.constant 16 : index
    %get3A_349 = tpu.vector_load %arg10[%get3A_347, %get3A_348] {strides = array<i32>} : memref<32x32xf32, #tpu.memory_space<vmem>>, vector<16xf32>,
    %add3A_350 = arith.addf %add3A_330, %get3A_349 : vector<16xf32>
    %get3A_351 = arith.constant 17 : i32
    %get3A_352 = arith.index_cast %get3A_351 : i32 to index
    %get3A_353 = arith.constant 0 : index
    %get3A_354 = tpu.vector_load %arg11[%get3A_352, %get3A_353] {strides = array<i32>} : memref<32x32xf32, #tpu.memory_space<vmem>>, vector<16xf32>,
    %add3A_355 = arith.addf %add3A_335, %get3A_354 : vector<16xf32>
    %get3A_356 = arith.constant 17 : i32
    %get3A_357 = arith.index_cast %get3A_356 : i32 to index
    %get3A_358 = arith.constant 16 : index
    %get3A_359 = tpu.vector_load %arg11[%get3A_357, %get3A_358] {strides = array<i32>} : memref<32x32xf32, #tpu.memory_space<vmem>>, vector<16xf32>,
    %add3A_360 = arith.addf %add3A_340, %get3A_359 : vector<16xf32>
    %get3A_361 = arith.constant 18 : i32
    %get3A_362 = arith.index_cast %get3A_361 : i32 to index
    %get3A_363 = arith.constant 0 : index
    %get3A_364 = tpu.vector_load %arg10[%get3A_362, %get3A_363] {strides = array<i32>} : memref<32x32xf32, #tpu.memory_space<vmem>>, vector<16xf32>,
    %add3A_365 = arith.addf %add3A_345, %get3A_364 : vector<16xf32>
    %get3A_366 = arith.constant 18 : i32
    %get3A_367 = arith.index_cast %get3A_366 : i32 to index
    %get3A_368 = arith.constant 16 : index
    %get3A_369 = tpu.vector_load %arg10[%get3A_367, %get3A_368] {strides = array<i32>} : memref<32x32xf32, #tpu.memory_space<vmem>>, vector<16xf32>,
    %add3A_370 = arith.addf %add3A_350, %get3A_369 : vector<16xf32>
    %get3A_371 = arith.constant 18 : i32
    %get3A_372 = arith.index_cast %get3A_371 : i32 to index
    %get3A_373 = arith.constant 0 : index
    %get3A_374 = tpu.vector_load %arg11[%get3A_372, %get3A_373] {strides = array<i32>} : memref<32x32xf32, #tpu.memory_space<vmem>>, vector<16xf32>,
    %add3A_375 = arith.addf %add3A_355, %get3A_374 : vector<16xf32>
    %get3A_376 = arith.constant 18 : i32
    %get3A_377 = arith.index_cast %get3A_376 : i32 to index
    %get3A_378 = arith.constant 16 : index
    %get3A_379 = tpu.vector_load %arg11[%get3A_377, %get3A_378] {strides = array<i32>} : memref<32x32xf32, #tpu.memory_space<vmem>>, vector<16xf32>,
    %add3A_380 = arith.addf %add3A_360, %get3A_379 : vector<16xf32>
    %get3A_381 = arith.constant 19 : i32
    %get3A_382 = arith.index_cast %get3A_381 : i32 to index
    %get3A_383 = arith.constant 0 : index
    %get3A_384 = tpu.vector_load %arg10[%get3A_382, %get3A_383] {strides = array<i32>} : memref<32x32xf32, #tpu.memory_space<vmem>>, vector<16xf32>,
    %add3A_385 = arith.addf %add3A_365, %get3A_384 : vector<16xf32>
    %get3A_386 = arith.constant 19 : i32
    %get3A_387 = arith.index_cast %get3A_386 : i32 to index
    %get3A_388 = arith.constant 16 : index
    %get3A_389 = tpu.vector_load %arg10[%get3A_387, %get3A_388] {strides = array<i32>} : memref<32x32xf32, #tpu.memory_space<vmem>>, vector<16xf32>,
    %add3A_390 = arith.addf %add3A_370, %get3A_389 : vector<16xf32>
    %get3A_391 = arith.constant 19 : i32
    %get3A_392 = arith.index_cast %get3A_391 : i32 to index
    %get3A_393 = arith.constant 0 : index
    %get3A_394 = tpu.vector_load %arg11[%get3A_392, %get3A_393] {strides = array<i32>} : memref<32x32xf32, #tpu.memory_space<vmem>>, vector<16xf32>,
    %add3A_395 = arith.addf %add3A_375, %get3A_394 : vector<16xf32>
    %get3A_396 = arith.constant 19 : i32
    %get3A_397 = arith.index_cast %get3A_396 : i32 to index
    %get3A_398 = arith.constant 16 : index
    %get3A_399 = tpu.vector_load %arg11[%get3A_397, %get3A_398] {strides = array<i32>} : memref<32x32xf32, #tpu.memory_space<vmem>>, vector<16xf32>,
    %add3A_400 = arith.addf %add3A_380, %get3A_399 : vector<16xf32>
    %get3A_401 = arith.constant 20 : i32
    %get3A_402 = arith.index_cast %get3A_401 : i32 to index
    %get3A_403 = arith.constant 0 : index
    %get3A_404 = tpu.vector_load %arg10[%get3A_402, %get3A_403] {strides = array<i32>} : memref<32x32xf32, #tpu.memory_space<vmem>>, vector<16xf32>,
    %add3A_405 = arith.addf %add3A_385, %get3A_404 : vector<16xf32>
    %get3A_406 = arith.constant 20 : i32
    %get3A_407 = arith.index_cast %get3A_406 : i32 to index
    %get3A_408 = arith.constant 16 : index
    %get3A_409 = tpu.vector_load %arg10[%get3A_407, %get3A_408] {strides = array<i32>} : memref<32x32xf32, #tpu.memory_space<vmem>>, vector<16xf32>,
    %add3A_410 = arith.addf %add3A_390, %get3A_409 : vector<16xf32>
    %get3A_411 = arith.constant 20 : i32
    %get3A_412 = arith.index_cast %get3A_411 : i32 to index
    %get3A_413 = arith.constant 0 : index
    %get3A_414 = tpu.vector_load %arg11[%get3A_412, %get3A_413] {strides = array<i32>} : memref<32x32xf32, #tpu.memory_space<vmem>>, vector<16xf32>,
    %add3A_415 = arith.addf %add3A_395, %get3A_414 : vector<16xf32>
    %get3A_416 = arith.constant 20 : i32
    %get3A_417 = arith.index_cast %get3A_416 : i32 to index
    %get3A_418 = arith.constant 16 : index
    %get3A_419 = tpu.vector_load %arg11[%get3A_417, %get3A_418] {strides = array<i32>} : memref<32x32xf32, #tpu.memory_space<vmem>>, vector<16xf32>,
    %add3A_420 = arith.addf %add3A_400, %get3A_419 : vector<16xf32>
    %get3A_421 = arith.constant 21 : i32
    %get3A_422 = arith.index_cast %get3A_421 : i32 to index
    %get3A_423 = arith.constant 0 : index
    %get3A_424 = tpu.vector_load %arg10[%get3A_422, %get3A_423] {strides = array<i32>} : memref<32x32xf32, #tpu.memory_space<vmem>>, vector<16xf32>,
    %add3A_425 = arith.addf %add3A_405, %get3A_424 : vector<16xf32>
    %get3A_426 = arith.constant 21 : i32
    %get3A_427 = arith.index_cast %get3A_426 : i32 to index
    %get3A_428 = arith.constant 16 : index
    %get3A_429 = tpu.vector_load %arg10[%get3A_427, %get3A_428] {strides = array<i32>} : memref<32x32xf32, #tpu.memory_space<vmem>>, vector<16xf32>,
    %add3A_430 = arith.addf %add3A_410, %get3A_429 : vector<16xf32>
    %get3A_431 = arith.constant 21 : i32
    %get3A_432 = arith.index_cast %get3A_431 : i32 to index
    %get3A_433 = arith.constant 0 : index
    %get3A_434 = tpu.vector_load %arg11[%get3A_432, %get3A_433] {strides = array<i32>} : memref<32x32xf32, #tpu.memory_space<vmem>>, vector<16xf32>,
    %add3A_435 = arith.addf %add3A_415, %get3A_434 : vector<16xf32>
    %get3A_436 = arith.constant 21 : i32
    %get3A_437 = arith.index_cast %get3A_436 : i32 to index
    %get3A_438 = arith.constant 16 : index
    %get3A_439 = tpu.vector_load %arg11[%get3A_437, %get3A_438] {strides = array<i32>} : memref<32x32xf32, #tpu.memory_space<vmem>>, vector<16xf32>,
    %add3A_440 = arith.addf %add3A_420, %get3A_439 : vector<16xf32>
    %get3A_441 = arith.constant 22 : i32
    %get3A_442 = arith.index_cast %get3A_441 : i32 to index
    %get3A_443 = arith.constant 0 : index
    %get3A_444 = tpu.vector_load %arg10[%get3A_442, %get3A_443] {strides = array<i32>} : memref<32x32xf32, #tpu.memory_space<vmem>>, vector<16xf32>,
    %add3A_445 = arith.addf %add3A_425, %get3A_444 : vector<16xf32>
    %get3A_446 = arith.constant 22 : i32
    %get3A_447 = arith.index_cast %get3A_446 : i32 to index
    %get3A_448 = arith.constant 16 : index
    %get3A_449 = tpu.vector_load %arg10[%get3A_447, %get3A_448] {strides = array<i32>} : memref<32x32xf32, #tpu.memory_space<vmem>>, vector<16xf32>,
    %add3A_450 = arith.addf %add3A_430, %get3A_449 : vector<16xf32>
    %get3A_451 = arith.constant 22 : i32
    %get3A_452 = arith.index_cast %get3A_451 : i32 to index
    %get3A_453 = arith.constant 0 : index
    %get3A_454 = tpu.vector_load %arg11[%get3A_452, %get3A_453] {strides = array<i32>} : memref<32x32xf32, #tpu.memory_space<vmem>>, vector<16xf32>,
    %add3A_455 = arith.addf %add3A_435, %get3A_454 : vector<16xf32>
    %get3A_456 = arith.constant 22 : i32
    %get3A_457 = arith.index_cast %get3A_456 : i32 to index
    %get3A_458 = arith.constant 16 : index
    %get3A_459 = tpu.vector_load %arg11[%get3A_457, %get3A_458] {strides = array<i32>} : memref<32x32xf32, #tpu.memory_space<vmem>>, vector<16xf32>,
    %add3A_460 = arith.addf %add3A_440, %get3A_459 : vector<16xf32>
    %get3A_461 = arith.constant 23 : i32
    %get3A_462 = arith.index_cast %get3A_461 : i32 to index
    %get3A_463 = arith.constant 0 : index
    %get3A_464 = tpu.vector_load %arg10[%get3A_462, %get3A_463] {strides = array<i32>} : memref<32x32xf32, #tpu.memory_space<vmem>>, vector<16xf32>,
    %add3A_465 = arith.addf %add3A_445, %get3A_464 : vector<16xf32>
    %get3A_466 = arith.constant 23 : i32
    %get3A_467 = arith.index_cast %get3A_466 : i32 to index
    %get3A_468 = arith.constant 16 : index
    %get3A_469 = tpu.vector_load %arg10[%get3A_467, %get3A_468] {strides = array<i32>} : memref<32x32xf32, #tpu.memory_space<vmem>>, vector<16xf32>,
    %add3A_470 = arith.addf %add3A_450, %get3A_469 : vector<16xf32>
    %get3A_471 = arith.constant 23 : i32
    %get3A_472 = arith.index_cast %get3A_471 : i32 to index
    %get3A_473 = arith.constant 0 : index
    %get3A_474 = tpu.vector_load %arg11[%get3A_472, %get3A_473] {strides = array<i32>} : memref<32x32xf32, #tpu.memory_space<vmem>>, vector<16xf32>,
    %add3A_475 = arith.addf %add3A_455, %get3A_474 : vector<16xf32>
    %get3A_476 = arith.constant 23 : i32
    %get3A_477 = arith.index_cast %get3A_476 : i32 to index
    %get3A_478 = arith.constant 16 : index
    %get3A_479 = tpu.vector_load %arg11[%get3A_477, %get3A_478] {strides = array<i32>} : memref<32x32xf32, #tpu.memory_space<vmem>>, vector<16xf32>,
    %add3A_480 = arith.addf %add3A_460, %get3A_479 : vector<16xf32>
    %get3A_481 = arith.constant 24 : i32
    %get3A_482 = arith.index_cast %get3A_481 : i32 to index
    %get3A_483 = arith.constant 0 : index
    %get3A_484 = tpu.vector_load %arg10[%get3A_482, %get3A_483] {strides = array<i32>} : memref<32x32xf32, #tpu.memory_space<vmem>>, vector<16xf32>,
    %add3A_485 = arith.addf %add3A_465, %get3A_484 : vector<16xf32>
    %get3A_486 = arith.constant 24 : i32
    %get3A_487 = arith.index_cast %get3A_486 : i32 to index
    %get3A_488 = arith.constant 16 : index
    %get3A_489 = tpu.vector_load %arg10[%get3A_487, %get3A_488] {strides = array<i32>} : memref<32x32xf32, #tpu.memory_space<vmem>>, vector<16xf32>,
    %add3A_490 = arith.addf %add3A_470, %get3A_489 : vector<16xf32>
    %get3A_491 = arith.constant 24 : i32
    %get3A_492 = arith.index_cast %get3A_491 : i32 to index
    %get3A_493 = arith.constant 0 : index
    %get3A_494 = tpu.vector_load %arg11[%get3A_492, %get3A_493] {strides = array<i32>} : memref<32x32xf32, #tpu.memory_space<vmem>>, vector<16xf32>,
    %add3A_495 = arith.addf %add3A_475, %get3A_494 : vector<16xf32>
    %get3A_496 = arith.constant 24 : i32
    %get3A_497 = arith.index_cast %get3A_496 : i32 to index
    %get3A_498 = arith.constant 16 : index
    %get3A_499 = tpu.vector_load %arg11[%get3A_497, %get3A_498] {strides = array<i32>} : memref<32x32xf32, #tpu.memory_space<vmem>>, vector<16xf32>,
    %add3A_500 = arith.addf %add3A_480, %get3A_499 : vector<16xf32>
    %get3A_501 = arith.constant 25 : i32
    %get3A_502 = arith.index_cast %get3A_501 : i32 to index
    %get3A_503 = arith.constant 0 : index
    %get3A_504 = tpu.vector_load %arg10[%get3A_502, %get3A_503] {strides = array<i32>} : memref<32x32xf32, #tpu.memory_space<vmem>>, vector<16xf32>,
    %add3A_505 = arith.addf %add3A_485, %get3A_504 : vector<16xf32>
    %get3A_506 = arith.constant 25 : i32
    %get3A_507 = arith.index_cast %get3A_506 : i32 to index
    %get3A_508 = arith.constant 16 : index
    %get3A_509 = tpu.vector_load %arg10[%get3A_507, %get3A_508] {strides = array<i32>} : memref<32x32xf32, #tpu.memory_space<vmem>>, vector<16xf32>,
    %add3A_510 = arith.addf %add3A_490, %get3A_509 : vector<16xf32>
    %get3A_511 = arith.constant 25 : i32
    %get3A_512 = arith.index_cast %get3A_511 : i32 to index
    %get3A_513 = arith.constant 0 : index
    %get3A_514 = tpu.vector_load %arg11[%get3A_512, %get3A_513] {strides = array<i32>} : memref<32x32xf32, #tpu.memory_space<vmem>>, vector<16xf32>,
    %add3A_515 = arith.addf %add3A_495, %get3A_514 : vector<16xf32>
    %get3A_516 = arith.constant 25 : i32
    %get3A_517 = arith.index_cast %get3A_516 : i32 to index
    %get3A_518 = arith.constant 16 : index
    %get3A_519 = tpu.vector_load %arg11[%get3A_517, %get3A_518] {strides = array<i32>} : memref<32x32xf32, #tpu.memory_space<vmem>>, vector<16xf32>,
    %add3A_520 = arith.addf %add3A_500, %get3A_519 : vector<16xf32>
    %get3A_521 = arith.constant 26 : i32
    %get3A_522 = arith.index_cast %get3A_521 : i32 to index
    %get3A_523 = arith.constant 0 : index
    %get3A_524 = tpu.vector_load %arg10[%get3A_522, %get3A_523] {strides = array<i32>} : memref<32x32xf32, #tpu.memory_space<vmem>>, vector<16xf32>,
    %add3A_525 = arith.addf %add3A_505, %get3A_524 : vector<16xf32>
    %get3A_526 = arith.constant 26 : i32
    %get3A_527 = arith.index_cast %get3A_526 : i32 to index
    %get3A_528 = arith.constant 16 : index
    %get3A_529 = tpu.vector_load %arg10[%get3A_527, %get3A_528] {strides = array<i32>} : memref<32x32xf32, #tpu.memory_space<vmem>>, vector<16xf32>,
    %add3A_530 = arith.addf %add3A_510, %get3A_529 : vector<16xf32>
    %get3A_531 = arith.constant 26 : i32
    %get3A_532 = arith.index_cast %get3A_531 : i32 to index
    %get3A_533 = arith.constant 0 : index
    %get3A_534 = tpu.vector_load %arg11[%get3A_532, %get3A_533] {strides = array<i32>} : memref<32x32xf32, #tpu.memory_space<vmem>>, vector<16xf32>,
    %add3A_535 = arith.addf %add3A_515, %get3A_534 : vector<16xf32>
    %get3A_536 = arith.constant 26 : i32
    %get3A_537 = arith.index_cast %get3A_536 : i32 to index
    %get3A_538 = arith.constant 16 : index
    %get3A_539 = tpu.vector_load %arg11[%get3A_537, %get3A_538] {strides = array<i32>} : memref<32x32xf32, #tpu.memory_space<vmem>>, vector<16xf32>,
    %add3A_540 = arith.addf %add3A_520, %get3A_539 : vector<16xf32>
    %get3A_541 = arith.constant 27 : i32
    %get3A_542 = arith.index_cast %get3A_541 : i32 to index
    %get3A_543 = arith.constant 0 : index
    %get3A_544 = tpu.vector_load %arg10[%get3A_542, %get3A_543] {strides = array<i32>} : memref<32x32xf32, #tpu.memory_space<vmem>>, vector<16xf32>,
    %add3A_545 = arith.addf %add3A_525, %get3A_544 : vector<16xf32>
    %get3A_546 = arith.constant 27 : i32
    %get3A_547 = arith.index_cast %get3A_546 : i32 to index
    %get3A_548 = arith.constant 16 : index
    %get3A_549 = tpu.vector_load %arg10[%get3A_547, %get3A_548] {strides = array<i32>} : memref<32x32xf32, #tpu.memory_space<vmem>>, vector<16xf32>,
    %add3A_550 = arith.addf %add3A_530, %get3A_549 : vector<16xf32>
    %get3A_551 = arith.constant 27 : i32
    %get3A_552 = arith.index_cast %get3A_551 : i32 to index
    %get3A_553 = arith.constant 0 : index
    %get3A_554 = tpu.vector_load %arg11[%get3A_552, %get3A_553] {strides = array<i32>} : memref<32x32xf32, #tpu.memory_space<vmem>>, vector<16xf32>,
    %add3A_555 = arith.addf %add3A_535, %get3A_554 : vector<16xf32>
    %get3A_556 = arith.constant 27 : i32
    %get3A_557 = arith.index_cast %get3A_556 : i32 to index
    %get3A_558 = arith.constant 16 : index
    %get3A_559 = tpu.vector_load %arg11[%get3A_557, %get3A_558] {strides = array<i32>} : memref<32x32xf32, #tpu.memory_space<vmem>>, vector<16xf32>,
    %add3A_560 = arith.addf %add3A_540, %get3A_559 : vector<16xf32>
    %get3A_561 = arith.constant 28 : i32
    %get3A_562 = arith.index_cast %get3A_561 : i32 to index
    %get3A_563 = arith.constant 0 : index
    %get3A_564 = tpu.vector_load %arg10[%get3A_562, %get3A_563] {strides = array<i32>} : memref<32x32xf32, #tpu.memory_space<vmem>>, vector<16xf32>,
    %add3A_565 = arith.addf %add3A_545, %get3A_564 : vector<16xf32>
    %get3A_566 = arith.constant 28 : i32
    %get3A_567 = arith.index_cast %get3A_566 : i32 to index
    %get3A_568 = arith.constant 16 : index
    %get3A_569 = tpu.vector_load %arg10[%get3A_567, %get3A_568] {strides = array<i32>} : memref<32x32xf32, #tpu.memory_space<vmem>>, vector<16xf32>,
    %add3A_570 = arith.addf %add3A_550, %get3A_569 : vector<16xf32>
    %get3A_571 = arith.constant 28 : i32
    %get3A_572 = arith.index_cast %get3A_571 : i32 to index
    %get3A_573 = arith.constant 0 : index
    %get3A_574 = tpu.vector_load %arg11[%get3A_572, %get3A_573] {strides = array<i32>} : memref<32x32xf32, #tpu.memory_space<vmem>>, vector<16xf32>,
    %add3A_575 = arith.addf %add3A_555, %get3A_574 : vector<16xf32>
    %get3A_576 = arith.constant 28 : i32
    %get3A_577 = arith.index_cast %get3A_576 : i32 to index
    %get3A_578 = arith.constant 16 : index
    %get3A_579 = tpu.vector_load %arg11[%get3A_577, %get3A_578] {strides = array<i32>} : memref<32x32xf32, #tpu.memory_space<vmem>>, vector<16xf32>,
    %add3A_580 = arith.addf %add3A_560, %get3A_579 : vector<16xf32>
    %get3A_581 = arith.constant 29 : i32
    %get3A_582 = arith.index_cast %get3A_581 : i32 to index
    %get3A_583 = arith.constant 0 : index
    %get3A_584 = tpu.vector_load %arg10[%get3A_582, %get3A_583] {strides = array<i32>} : memref<32x32xf32, #tpu.memory_space<vmem>>, vector<16xf32>,
    %add3A_585 = arith.addf %add3A_565, %get3A_584 : vector<16xf32>
    %get3A_586 = arith.constant 29 : i32
    %get3A_587 = arith.index_cast %get3A_586 : i32 to index
    %get3A_588 = arith.constant 16 : index
    %get3A_589 = tpu.vector_load %arg10[%get3A_587, %get3A_588] {strides = array<i32>} : memref<32x32xf32, #tpu.memory_space<vmem>>, vector<16xf32>,
    %add3A_590 = arith.addf %add3A_570, %get3A_589 : vector<16xf32>
    %get3A_591 = arith.constant 29 : i32
    %get3A_592 = arith.index_cast %get3A_591 : i32 to index
    %get3A_593 = arith.constant 0 : index
    %get3A_594 = tpu.vector_load %arg11[%get3A_592, %get3A_593] {strides = array<i32>} : memref<32x32xf32, #tpu.memory_space<vmem>>, vector<16xf32>,
    %add3A_595 = arith.addf %add3A_575, %get3A_594 : vector<16xf32>
    %get3A_596 = arith.constant 29 : i32
    %get3A_597 = arith.index_cast %get3A_596 : i32 to index
    %get3A_598 = arith.constant 16 : index
    %get3A_599 = tpu.vector_load %arg11[%get3A_597, %get3A_598] {strides = array<i32>} : memref<32x32xf32, #tpu.memory_space<vmem>>, vector<16xf32>,
    %add3A_600 = arith.addf %add3A_580, %get3A_599 : vector<16xf32>
    %get3A_601 = arith.constant 30 : i32
    %get3A_602 = arith.index_cast %get3A_601 : i32 to index
    %get3A_603 = arith.constant 0 : index
    %get3A_604 = tpu.vector_load %arg10[%get3A_602, %get3A_603] {strides = array<i32>} : memref<32x32xf32, #tpu.memory_space<vmem>>, vector<16xf32>,
    %add3A_605 = arith.addf %add3A_585, %get3A_604 : vector<16xf32>
    %get3A_606 = arith.constant 30 : i32
    %get3A_607 = arith.index_cast %get3A_606 : i32 to index
    %get3A_608 = arith.constant 16 : index
    %get3A_609 = tpu.vector_load %arg10[%get3A_607, %get3A_608] {strides = array<i32>} : memref<32x32xf32, #tpu.memory_space<vmem>>, vector<16xf32>,
    %add3A_610 = arith.addf %add3A_590, %get3A_609 : vector<16xf32>
    %get3A_611 = arith.constant 30 : i32
    %get3A_612 = arith.index_cast %get3A_611 : i32 to index
    %get3A_613 = arith.constant 0 : index
    %get3A_614 = tpu.vector_load %arg11[%get3A_612, %get3A_613] {strides = array<i32>} : memref<32x32xf32, #tpu.memory_space<vmem>>, vector<16xf32>,
    %add3A_615 = arith.addf %add3A_595, %get3A_614 : vector<16xf32>
    %get3A_616 = arith.constant 30 : i32
    %get3A_617 = arith.index_cast %get3A_616 : i32 to index
    %get3A_618 = arith.constant 16 : index
    %get3A_619 = tpu.vector_load %arg11[%get3A_617, %get3A_618] {strides = array<i32>} : memref<32x32xf32, #tpu.memory_space<vmem>>, vector<16xf32>,
    %add3A_620 = arith.addf %add3A_600, %get3A_619 : vector<16xf32>
    %get3A_621 = arith.constant 31 : i32
    %get3A_622 = arith.index_cast %get3A_621 : i32 to index
    %get3A_623 = arith.constant 0 : index
    %get3A_624 = tpu.vector_load %arg10[%get3A_622, %get3A_623] {strides = array<i32>} : memref<32x32xf32, #tpu.memory_space<vmem>>, vector<16xf32>,
    %add3A_625 = arith.addf %add3A_605, %get3A_624 : vector<16xf32>
    %get3A_626 = arith.constant 31 : i32
    %get3A_627 = arith.index_cast %get3A_626 : i32 to index
    %get3A_628 = arith.constant 16 : index
    %get3A_629 = tpu.vector_load %arg10[%get3A_627, %get3A_628] {strides = array<i32>} : memref<32x32xf32, #tpu.memory_space<vmem>>, vector<16xf32>,
    %add3A_630 = arith.addf %add3A_610, %get3A_629 : vector<16xf32>
    %get3A_631 = arith.constant 31 : i32
    %get3A_632 = arith.index_cast %get3A_631 : i32 to index
    %get3A_633 = arith.constant 0 : index
    %get3A_634 = tpu.vector_load %arg11[%get3A_632, %get3A_633] {strides = array<i32>} : memref<32x32xf32, #tpu.memory_space<vmem>>, vector<16xf32>,
    %add3A_635 = arith.addf %add3A_615, %get3A_634 : vector<16xf32>
    %get3A_636 = arith.constant 31 : i32
    %get3A_637 = arith.index_cast %get3A_636 : i32 to index
    %get3A_638 = arith.constant 16 : index
    %get3A_639 = tpu.vector_load %arg11[%get3A_637, %get3A_638] {strides = array<i32>} : memref<32x32xf32, #tpu.memory_space<vmem>>, vector<16xf32>,
    %add3A_640 = arith.addf %add3A_620, %get3A_639 : vector<16xf32>
    %add3A_641 = arith.constant 9.99999997E-7 : f32
    %add3A_642 = vector.broadcast %add3A_641 : f32 to vector<16xf32>
    %add3A_643 = arith.addf %add3A_635, %add3A_642 : vector<16xf32>
    %div3A = arith.divf %add3A_625, %add3A_643 : vector<16xf32>
    %swap3A = arith.constant 0 : index
    %swap3A_644 = tpu.vector_load %arg12[%swap3A] {strides = array<i32>} : memref<32xf32, #tpu.memory_space<vmem>>, vector<16xf32>,
    tpu.vector_store %arg12[%swap3A], %div3A {strides = array<i32>} : memref<32xf32, #tpu.memory_space<vmem>>, vector<16xf32>,
    %add3A_645 = arith.constant 9.99999997E-7 : f32
    %add3A_646 = vector.broadcast %add3A_645 : f32 to vector<16xf32>
    %add3A_647 = arith.addf %add3A_640, %add3A_646 : vector<16xf32>
    %div3A_648 = arith.divf %add3A_630, %add3A_647 : vector<16xf32>
    %swap3A_649 = arith.constant 16 : index
    %swap3A_650 = tpu.vector_load %arg12[%swap3A_649] {strides = array<i32>} : memref<32xf32, #tpu.memory_space<vmem>>, vector<16xf32>,
    tpu.vector_store %arg12[%swap3A_649], %div3A_648 {strides = array<i32>} : memref<32xf32, #tpu.memory_space<vmem>>, vector<16xf32>,
    %lt3A = arith.constant 26 : i32
    %lt3A_651 = arith.cmpi slt, %add3A, %lt3A : i32
    %jit3A = arith.constant 1 : i32
    %jit3A_652 = arith.constant 0 : i32
    %select_n3A = arith.select %lt3A_651, %jit3A, %jit3A_652 : i32
    %add3A_653 = arith.constant 7 : i32
    %add3A_654 = arith.addi %add3A_653, %select_n3A : i32
    %while3A = arith.constant 0 : i32
    %while3A_655 = arith.constant 0 : i32
    %while3A_656 = arith.subi %add3A_654, %while3A_655 : i32
    %while3A_657 = arith.addi %while3A_655, %while3A_656 : i32
    %while3A_658 = arith.constant 1 : i32
    %while3A_659 = arith.divsi %while3A_656, %while3A_658 : i32
    %while3A_660 = arith.muli %while3A_659, %while3A_658 : i32
    %while3A_661 = arith.addi %while3A_655, %while3A_660 : i32
    %while3A_662 = arith.constant 1 : i32
    scf.for %while3A_664 = %while3A_655 to %while3A_661 step %while3A_662  : i32 {
      %mul3A_665 = arith.constant 32 : i32
      %mul3A_666 = arith.muli %mul3A_665, %while3A_664 : i32
      %add3A_667 = arith.addi %add3A, %mul3A_666 : i32
      %mul3A_668 = arith.constant 8000 : i32
      %mul3A_669 = arith.muli %add3A_667, %mul3A_668 : i32
      "tpu.region"() ({
        %run_scoped3A = tpu.sem_alloc : memref<!tpu.dma_semaphore, #tpu.memory_space<semaphore_mem>>
        %dma_start3A = tpu.memref_slice %arg2[%mul3A_669] : memref<2000000xf32, #tpu.memory_space<hbm>> -> memref<8000xf32, #tpu.memory_space<hbm>>
        %dma_start3A_672 = tpu.memref_slice %arg2[%mul3A_669] : memref<2000000xf32, #tpu.memory_space<hbm>> -> memref<8000xf32, #tpu.memory_space<hbm>>
        tpu.enqueue_dma source(%dma_start3A_672 : memref<8000xf32, #tpu.memory_space<hbm>>) target(%arg7 : memref<8000xf32, #tpu.memory_space<vmem>>) target_semaphore(%run_scoped3A : memref<!tpu.dma_semaphore, #tpu.memory_space<semaphore_mem>>)
        %dma_wait3A = tpu.memref_slice %arg2[%mul3A_669] : memref<2000000xf32, #tpu.memory_space<hbm>> -> memref<8000xf32, #tpu.memory_space<hbm>>
        %dma_wait3A_673 = tpu.memref_slice %arg2[%mul3A_669] : memref<2000000xf32, #tpu.memory_space<hbm>> -> memref<8000xf32, #tpu.memory_space<hbm>>
        tpu.wait_dma2 semaphore(%run_scoped3A : memref<!tpu.dma_semaphore, #tpu.memory_space<semaphore_mem>>) src(%dma_wait3A_673 : memref<8000xf32, #tpu.memory_space<hbm>>) dst(%arg7 : memref<8000xf32, #tpu.memory_space<vmem>>)
        tpu.yield
      }) : () -> ()
      "tpu.region"() ({
        %run_scoped3A = tpu.sem_alloc : memref<!tpu.dma_semaphore, #tpu.memory_space<semaphore_mem>>
        %dma_start3A = tpu.memref_slice %arg3[%mul3A_669] : memref<2000000xi32, #tpu.memory_space<hbm>> -> memref<8000xi32, #tpu.memory_space<hbm>>
        %dma_start3A_672 = tpu.memref_slice %arg3[%mul3A_669] : memref<2000000xi32, #tpu.memory_space<hbm>> -> memref<8000xi32, #tpu.memory_space<hbm>>
        tpu.enqueue_dma source(%dma_start3A_672 : memref<8000xi32, #tpu.memory_space<hbm>>) target(%arg8 : memref<8000xi32, #tpu.memory_space<vmem>>) target_semaphore(%run_scoped3A : memref<!tpu.dma_semaphore, #tpu.memory_space<semaphore_mem>>)
        %dma_wait3A = tpu.memref_slice %arg3[%mul3A_669] : memref<2000000xi32, #tpu.memory_space<hbm>> -> memref<8000xi32, #tpu.memory_space<hbm>>
        %dma_wait3A_673 = tpu.memref_slice %arg3[%mul3A_669] : memref<2000000xi32, #tpu.memory_space<hbm>> -> memref<8000xi32, #tpu.memory_space<hbm>>
        tpu.wait_dma2 semaphore(%run_scoped3A : memref<!tpu.dma_semaphore, #tpu.memory_space<semaphore_mem>>) src(%dma_wait3A_673 : memref<8000xi32, #tpu.memory_space<hbm>>) dst(%arg8 : memref<8000xi32, #tpu.memory_space<vmem>>)
        tpu.yield
      }) : () -> ()
      %parallel_loop3A = arith.constant 0 : i32
      %parallel_loop3A_670 = arith.constant 500 : i32
      %parallel_loop3A_671 = arith.constant 1 : i32
      scf.for %parallel_loop3A_672 = %parallel_loop3A to %parallel_loop3A_670 step %parallel_loop3A_671  : i32 {
        %parallel_loop3A_673 = arith.constant 16 : i32
        %parallel_loop3A_674 = arith.muli %parallel_loop3A_672, %parallel_loop3A_673 : i32
        %parallel_loop3A_675 = arith.index_cast %parallel_loop3A_674 : i32 to index
        %parallel_loop3A_676 = tpu.vector_load %arg8[%parallel_loop3A_675] {strides = array<i32>} : memref<8000xi32, #tpu.memory_space<vmem>>, vector<16xi32>,
        %parallel_loop3A_677 = tpu.vector_load_idx %arg12[%parallel_loop3A_676] : memref<32xf32, #tpu.memory_space<vmem>>[vector<16xi32>], vector<16xf32>,
        %parallel_loop3A_678 = arith.index_cast %parallel_loop3A_674 : i32 to index
        %parallel_loop3A_679 = tpu.vector_load %arg7[%parallel_loop3A_678] {strides = array<i32>} : memref<8000xf32, #tpu.memory_space<vmem>>, vector<16xf32>,
        %parallel_loop3A_680 = math.exp %parallel_loop3A_677 : vector<16xf32>
        %parallel_loop3A_681 = arith.mulf %parallel_loop3A_679, %parallel_loop3A_680 : vector<16xf32>
        %parallel_loop3A_682 = arith.index_cast %parallel_loop3A_674 : i32 to index
        %parallel_loop3A_683 = tpu.vector_load %arg9[%parallel_loop3A_682] {strides = array<i32>} : memref<8000xf32, #tpu.memory_space<vmem>>, vector<16xf32>,
        tpu.vector_store %arg9[%parallel_loop3A_682], %parallel_loop3A_681 {strides = array<i32>} : memref<8000xf32, #tpu.memory_space<vmem>>, vector<16xf32>,
      } {sc.loop_unroll_factor = 8 : i64, sc.parallel_access}
      "tpu.region"() ({
        %run_scoped3A = tpu.sem_alloc : memref<!tpu.dma_semaphore, #tpu.memory_space<semaphore_mem>>
        %dma_start3A = tpu.memref_slice %arg6[%mul3A_669] : memref<2000000xf32, #tpu.memory_space<hbm>> -> memref<8000xf32, #tpu.memory_space<hbm>>
        %dma_start3A_672 = tpu.memref_slice %arg6[%mul3A_669] : memref<2000000xf32, #tpu.memory_space<hbm>> -> memref<8000xf32, #tpu.memory_space<hbm>>
        tpu.enqueue_dma source(%arg9 : memref<8000xf32, #tpu.memory_space<vmem>>) target(%dma_start3A_672 : memref<8000xf32, #tpu.memory_space<hbm>>) target_semaphore(%run_scoped3A : memref<!tpu.dma_semaphore, #tpu.memory_space<semaphore_mem>>)
        %dma_wait3A = tpu.memref_slice %arg6[%mul3A_669] : memref<2000000xf32, #tpu.memory_space<hbm>> -> memref<8000xf32, #tpu.memory_space<hbm>>
        %dma_wait3A_673 = tpu.memref_slice %arg6[%mul3A_669] : memref<2000000xf32, #tpu.memory_space<hbm>> -> memref<8000xf32, #tpu.memory_space<hbm>>
        tpu.wait_dma2 semaphore(%run_scoped3A : memref<!tpu.dma_semaphore, #tpu.memory_space<semaphore_mem>>) src(%arg9 : memref<8000xf32, #tpu.memory_space<vmem>>) dst(%dma_wait3A_673 : memref<8000xf32, #tpu.memory_space<hbm>>)
        tpu.yield
      }) : () -> ()
    }
    %while3A_663 = arith.constant 1 : i32
    scf.for %while3A_664 = %while3A_661 to %while3A_657 step %while3A_663  : i32 {
      %mul3A_665 = arith.constant 32 : i32
      %mul3A_666 = arith.muli %mul3A_665, %while3A_664 : i32
      %add3A_667 = arith.addi %add3A, %mul3A_666 : i32
      %mul3A_668 = arith.constant 8000 : i32
      %mul3A_669 = arith.muli %add3A_667, %mul3A_668 : i32
      "tpu.region"() ({
        %run_scoped3A = tpu.sem_alloc : memref<!tpu.dma_semaphore, #tpu.memory_space<semaphore_mem>>
        %dma_start3A = tpu.memref_slice %arg2[%mul3A_669] : memref<2000000xf32, #tpu.memory_space<hbm>> -> memref<8000xf32, #tpu.memory_space<hbm>>
        %dma_start3A_672 = tpu.memref_slice %arg2[%mul3A_669] : memref<2000000xf32, #tpu.memory_space<hbm>> -> memref<8000xf32, #tpu.memory_space<hbm>>
        tpu.enqueue_dma source(%dma_start3A_672 : memref<8000xf32, #tpu.memory_space<hbm>>) target(%arg7 : memref<8000xf32, #tpu.memory_space<vmem>>) target_semaphore(%run_scoped3A : memref<!tpu.dma_semaphore, #tpu.memory_space<semaphore_mem>>)
        %dma_wait3A = tpu.memref_slice %arg2[%mul3A_669] : memref<2000000xf32, #tpu.memory_space<hbm>> -> memref<8000xf32, #tpu.memory_space<hbm>>
        %dma_wait3A_673 = tpu.memref_slice %arg2[%mul3A_669] : memref<2000000xf32, #tpu.memory_space<hbm>> -> memref<8000xf32, #tpu.memory_space<hbm>>
        tpu.wait_dma2 semaphore(%run_scoped3A : memref<!tpu.dma_semaphore, #tpu.memory_space<semaphore_mem>>) src(%dma_wait3A_673 : memref<8000xf32, #tpu.memory_space<hbm>>) dst(%arg7 : memref<8000xf32, #tpu.memory_space<vmem>>)
        tpu.yield
      }) : () -> ()
      "tpu.region"() ({
        %run_scoped3A = tpu.sem_alloc : memref<!tpu.dma_semaphore, #tpu.memory_space<semaphore_mem>>
        %dma_start3A = tpu.memref_slice %arg3[%mul3A_669] : memref<2000000xi32, #tpu.memory_space<hbm>> -> memref<8000xi32, #tpu.memory_space<hbm>>
        %dma_start3A_672 = tpu.memref_slice %arg3[%mul3A_669] : memref<2000000xi32, #tpu.memory_space<hbm>> -> memref<8000xi32, #tpu.memory_space<hbm>>
        tpu.enqueue_dma source(%dma_start3A_672 : memref<8000xi32, #tpu.memory_space<hbm>>) target(%arg8 : memref<8000xi32, #tpu.memory_space<vmem>>) target_semaphore(%run_scoped3A : memref<!tpu.dma_semaphore, #tpu.memory_space<semaphore_mem>>)
        %dma_wait3A = tpu.memref_slice %arg3[%mul3A_669] : memref<2000000xi32, #tpu.memory_space<hbm>> -> memref<8000xi32, #tpu.memory_space<hbm>>
        %dma_wait3A_673 = tpu.memref_slice %arg3[%mul3A_669] : memref<2000000xi32, #tpu.memory_space<hbm>> -> memref<8000xi32, #tpu.memory_space<hbm>>
        tpu.wait_dma2 semaphore(%run_scoped3A : memref<!tpu.dma_semaphore, #tpu.memory_space<semaphore_mem>>) src(%dma_wait3A_673 : memref<8000xi32, #tpu.memory_space<hbm>>) dst(%arg8 : memref<8000xi32, #tpu.memory_space<vmem>>)
        tpu.yield
      }) : () -> ()
      %parallel_loop3A = arith.constant 0 : i32
      %parallel_loop3A_670 = arith.constant 500 : i32
      %parallel_loop3A_671 = arith.constant 1 : i32
      scf.for %parallel_loop3A_672 = %parallel_loop3A to %parallel_loop3A_670 step %parallel_loop3A_671  : i32 {
        %parallel_loop3A_673 = arith.constant 16 : i32
        %parallel_loop3A_674 = arith.muli %parallel_loop3A_672, %parallel_loop3A_673 : i32
        %parallel_loop3A_675 = arith.index_cast %parallel_loop3A_674 : i32 to index
        %parallel_loop3A_676 = tpu.vector_load %arg8[%parallel_loop3A_675] {strides = array<i32>} : memref<8000xi32, #tpu.memory_space<vmem>>, vector<16xi32>,
        %parallel_loop3A_677 = tpu.vector_load_idx %arg12[%parallel_loop3A_676] : memref<32xf32, #tpu.memory_space<vmem>>[vector<16xi32>], vector<16xf32>,
        %parallel_loop3A_678 = arith.index_cast %parallel_loop3A_674 : i32 to index
        %parallel_loop3A_679 = tpu.vector_load %arg7[%parallel_loop3A_678] {strides = array<i32>} : memref<8000xf32, #tpu.memory_space<vmem>>, vector<16xf32>,
        %parallel_loop3A_680 = math.exp %parallel_loop3A_677 : vector<16xf32>
        %parallel_loop3A_681 = arith.mulf %parallel_loop3A_679, %parallel_loop3A_680 : vector<16xf32>
        %parallel_loop3A_682 = arith.index_cast %parallel_loop3A_674 : i32 to index
        %parallel_loop3A_683 = tpu.vector_load %arg9[%parallel_loop3A_682] {strides = array<i32>} : memref<8000xf32, #tpu.memory_space<vmem>>, vector<16xf32>,
        tpu.vector_store %arg9[%parallel_loop3A_682], %parallel_loop3A_681 {strides = array<i32>} : memref<8000xf32, #tpu.memory_space<vmem>>, vector<16xf32>,
      } {sc.loop_unroll_factor = 8 : i64, sc.parallel_access}
      "tpu.region"() ({
        %run_scoped3A = tpu.sem_alloc : memref<!tpu.dma_semaphore, #tpu.memory_space<semaphore_mem>>
        %dma_start3A = tpu.memref_slice %arg6[%mul3A_669] : memref<2000000xf32, #tpu.memory_space<hbm>> -> memref<8000xf32, #tpu.memory_space<hbm>>
        %dma_start3A_672 = tpu.memref_slice %arg6[%mul3A_669] : memref<2000000xf32, #tpu.memory_space<hbm>> -> memref<8000xf32, #tpu.memory_space<hbm>>
        tpu.enqueue_dma source(%arg9 : memref<8000xf32, #tpu.memory_space<vmem>>) target(%dma_start3A_672 : memref<8000xf32, #tpu.memory_space<hbm>>) target_semaphore(%run_scoped3A : memref<!tpu.dma_semaphore, #tpu.memory_space<semaphore_mem>>)
        %dma_wait3A = tpu.memref_slice %arg6[%mul3A_669] : memref<2000000xf32, #tpu.memory_space<hbm>> -> memref<8000xf32, #tpu.memory_space<hbm>>
        %dma_wait3A_673 = tpu.memref_slice %arg6[%mul3A_669] : memref<2000000xf32, #tpu.memory_space<hbm>> -> memref<8000xf32, #tpu.memory_space<hbm>>
        tpu.wait_dma2 semaphore(%run_scoped3A : memref<!tpu.dma_semaphore, #tpu.memory_space<semaphore_mem>>) src(%arg9 : memref<8000xf32, #tpu.memory_space<vmem>>) dst(%dma_wait3A_673 : memref<8000xf32, #tpu.memory_space<hbm>>)
        tpu.yield
      }) : () -> ()
    }
    return
  }
}

#map = affine_map<(d0, d1) -> (0)>
#map1 = affine_map<(d0, d1) -> (0, 0)>
module attributes {stable_mosaic.version = 14 : i64} {
  func.func @_binstats_body(%arg0: i32, %arg1: i32, %arg2: memref<2000000xf32, #tpu.memory_space<hbm>>, %arg3: memref<2000000xi32, #tpu.memory_space<hbm>>, %arg4: memref<32x32xf32, #tpu.memory_space<hbm>>, %arg5: memref<32x32xf32, #tpu.memory_space<hbm>>, %arg6: memref<8000xf32, #tpu.memory_space<vmem>>, %arg7: memref<8000xi32, #tpu.memory_space<vmem>>, %arg8: memref<32xf32, #tpu.memory_space<vmem>>, %arg9: memref<32xf32, #tpu.memory_space<vmem>>) attributes {dimension_semantics = [#tpu.dimension_semantics<core_parallel>, #tpu.dimension_semantics<subcore_parallel>], iteration_bounds = array<i64: 2, 16>, scalar_prefetch = 0 : i64, scratch_operands = 4 : i64, tpu.core_type = #tpu.core_type<sc_vector_subcore>, window_params = [{transform_indices = #map}, {transform_indices = #map}, {transform_indices = #map1}, {transform_indices = #map1}]} {
    %mul3A = arith.constant 2 : i32
    %mul3A_0 = arith.muli %arg1, %mul3A : i32
    %add3A = arith.addi %mul3A_0, %arg0 : i32
    %broadcast_in_dim3A = arith.constant 0.000000e+00 : f32
    %broadcast_in_dim3A_1 = vector.broadcast %broadcast_in_dim3A : f32 to vector<16xf32>
    %swap3A = arith.constant 0 : index
    %swap3A_2 = tpu.vector_load %arg8[%swap3A] {strides = array<i32>} : memref<32xf32, #tpu.memory_space<vmem>>, vector<16xf32>,
    tpu.vector_store %arg8[%swap3A], %broadcast_in_dim3A_1 {strides = array<i32>} : memref<32xf32, #tpu.memory_space<vmem>>, vector<16xf32>,
    %swap3A_3 = arith.constant 16 : index
    %swap3A_4 = tpu.vector_load %arg8[%swap3A_3] {strides = array<i32>} : memref<32xf32, #tpu.memory_space<vmem>>, vector<16xf32>,
    tpu.vector_store %arg8[%swap3A_3], %broadcast_in_dim3A_1 {strides = array<i32>} : memref<32xf32, #tpu.memory_space<vmem>>, vector<16xf32>,
    %swap3A_5 = arith.constant 0 : index
    %swap3A_6 = tpu.vector_load %arg9[%swap3A_5] {strides = array<i32>} : memref<32xf32, #tpu.memory_space<vmem>>, vector<16xf32>,
    tpu.vector_store %arg9[%swap3A_5], %broadcast_in_dim3A_1 {strides = array<i32>} : memref<32xf32, #tpu.memory_space<vmem>>, vector<16xf32>,
    %swap3A_7 = arith.constant 16 : index
    %swap3A_8 = tpu.vector_load %arg9[%swap3A_7] {strides = array<i32>} : memref<32xf32, #tpu.memory_space<vmem>>, vector<16xf32>,
    tpu.vector_store %arg9[%swap3A_7], %broadcast_in_dim3A_1 {strides = array<i32>} : memref<32xf32, #tpu.memory_space<vmem>>, vector<16xf32>,
    %lt3A = arith.constant 26 : i32
    %lt3A_9 = arith.cmpi slt, %add3A, %lt3A : i32
    %jit3A = arith.constant 1 : i32
    %jit3A_10 = arith.constant 0 : i32
    %select_n3A = arith.select %lt3A_9, %jit3A, %jit3A_10 : i32
    %add3A_11 = arith.constant 7 : i32
    %add3A_12 = arith.addi %add3A_11, %select_n3A : i32
    %while3A = arith.constant 0 : i32
    %while3A_13 = arith.constant 0 : i32
    %while3A_14 = arith.subi %add3A_12, %while3A_13 : i32
    %while3A_15 = arith.addi %while3A_13, %while3A_14 : i32
    %while3A_16 = arith.constant 1 : i32
    %while3A_17 = arith.divsi %while3A_14, %while3A_16 : i32
    %while3A_18 = arith.muli %while3A_17, %while3A_16 : i32
    %while3A_19 = arith.addi %while3A_13, %while3A_18 : i32
    %while3A_20 = arith.constant 1 : i32
    scf.for %while3A_22 = %while3A_13 to %while3A_19 step %while3A_20  : i32 {
      %mul3A_23 = arith.constant 32 : i32
      %mul3A_24 = arith.muli %mul3A_23, %while3A_22 : i32
      %add3A_25 = arith.addi %add3A, %mul3A_24 : i32
      %mul3A_26 = arith.constant 8000 : i32
      %mul3A_27 = arith.muli %add3A_25, %mul3A_26 : i32
      "tpu.region"() ({
        %run_scoped3A = tpu.sem_alloc : memref<!tpu.dma_semaphore, #tpu.memory_space<semaphore_mem>>
        %dma_start3A = tpu.memref_slice %arg2[%mul3A_27] : memref<2000000xf32, #tpu.memory_space<hbm>> -> memref<8000xf32, #tpu.memory_space<hbm>>
        %dma_start3A_37 = tpu.memref_slice %arg2[%mul3A_27] : memref<2000000xf32, #tpu.memory_space<hbm>> -> memref<8000xf32, #tpu.memory_space<hbm>>
        tpu.enqueue_dma source(%dma_start3A_37 : memref<8000xf32, #tpu.memory_space<hbm>>) target(%arg6 : memref<8000xf32, #tpu.memory_space<vmem>>) target_semaphore(%run_scoped3A : memref<!tpu.dma_semaphore, #tpu.memory_space<semaphore_mem>>)
        %dma_wait3A = tpu.memref_slice %arg2[%mul3A_27] : memref<2000000xf32, #tpu.memory_space<hbm>> -> memref<8000xf32, #tpu.memory_space<hbm>>
        %dma_wait3A_38 = tpu.memref_slice %arg2[%mul3A_27] : memref<2000000xf32, #tpu.memory_space<hbm>> -> memref<8000xf32, #tpu.memory_space<hbm>>
        tpu.wait_dma2 semaphore(%run_scoped3A : memref<!tpu.dma_semaphore, #tpu.memory_space<semaphore_mem>>) src(%dma_wait3A_38 : memref<8000xf32, #tpu.memory_space<hbm>>) dst(%arg6 : memref<8000xf32, #tpu.memory_space<vmem>>)
        tpu.yield
      }) : () -> ()
      "tpu.region"() ({
        %run_scoped3A = tpu.sem_alloc : memref<!tpu.dma_semaphore, #tpu.memory_space<semaphore_mem>>
        %dma_start3A = tpu.memref_slice %arg3[%mul3A_27] : memref<2000000xi32, #tpu.memory_space<hbm>> -> memref<8000xi32, #tpu.memory_space<hbm>>
        %dma_start3A_37 = tpu.memref_slice %arg3[%mul3A_27] : memref<2000000xi32, #tpu.memory_space<hbm>> -> memref<8000xi32, #tpu.memory_space<hbm>>
        tpu.enqueue_dma source(%dma_start3A_37 : memref<8000xi32, #tpu.memory_space<hbm>>) target(%arg7 : memref<8000xi32, #tpu.memory_space<vmem>>) target_semaphore(%run_scoped3A : memref<!tpu.dma_semaphore, #tpu.memory_space<semaphore_mem>>)
        %dma_wait3A = tpu.memref_slice %arg3[%mul3A_27] : memref<2000000xi32, #tpu.memory_space<hbm>> -> memref<8000xi32, #tpu.memory_space<hbm>>
        %dma_wait3A_38 = tpu.memref_slice %arg3[%mul3A_27] : memref<2000000xi32, #tpu.memory_space<hbm>> -> memref<8000xi32, #tpu.memory_space<hbm>>
        tpu.wait_dma2 semaphore(%run_scoped3A : memref<!tpu.dma_semaphore, #tpu.memory_space<semaphore_mem>>) src(%dma_wait3A_38 : memref<8000xi32, #tpu.memory_space<hbm>>) dst(%arg7 : memref<8000xi32, #tpu.memory_space<vmem>>)
        tpu.yield
      }) : () -> ()
      %get3A = arith.constant 0 : index
      %get3A_28 = tpu.vector_load %arg7[%get3A] {strides = array<i32>} : memref<8000xi32, #tpu.memory_space<vmem>>, vector<16xi32>,
      %slice3A = vector.extract_strided_slice %get3A_28 {offsets = [0], sizes = [1], strides = [1]} : vector<16xi32> to vector<1xi32>
      %squeeze3A = vector.extract %slice3A[0] : i32 from vector<1xi32>
      %get3A_29 = arith.constant 7984 : index
      %get3A_30 = tpu.vector_load %arg7[%get3A_29] {strides = array<i32>} : memref<8000xi32, #tpu.memory_space<vmem>>, vector<16xi32>,
      %slice3A_31 = vector.extract_strided_slice %get3A_30 {offsets = [15], sizes = [1], strides = [1]} : vector<16xi32> to vector<1xi32>
      %squeeze3A_32 = vector.extract %slice3A_31[0] : i32 from vector<1xi32>
      %eq3A = arith.cmpi eq, %squeeze3A, %squeeze3A_32 : i32
      %convert_element_type3A = arith.extui %eq3A : i1 to i32
      %cond3A = arith.constant 0 : i32
      %cond3A_33 = arith.cmpi ne, %convert_element_type3A, %cond3A : i32
      scf.if %cond3A_33 {
        %parallel_loop3A = arith.constant 0 : i32
        %parallel_loop3A_37 = arith.constant 500 : i32
        %parallel_loop3A_38 = arith.constant 1 : i32
        %parallel_loop3A_39 = scf.for %parallel_loop3A_88 = %parallel_loop3A to %parallel_loop3A_37 step %parallel_loop3A_38 iter_args(%parallel_loop3A_89 = %broadcast_in_dim3A_1) -> (vector<16xf32>)  : i32 {
          %parallel_loop3A_90 = arith.constant 16 : i32
          %parallel_loop3A_91 = arith.muli %parallel_loop3A_88, %parallel_loop3A_90 : i32
          %parallel_loop3A_92 = arith.index_cast %parallel_loop3A_91 : i32 to index
          %parallel_loop3A_93 = tpu.vector_load %arg6[%parallel_loop3A_92] {strides = array<i32>} : memref<8000xf32, #tpu.memory_space<vmem>>, vector<16xf32>,
          %parallel_loop3A_94 = arith.addf %parallel_loop3A_89, %parallel_loop3A_93 : vector<16xf32>
          scf.yield %parallel_loop3A_94 : vector<16xf32>
        } {sc.loop_unroll_factor = 8 : i64, sc.parallel_access}
        %reduce_sum3A = arith.constant true
        %reduce_sum3A_40 = vector.broadcast %reduce_sum3A : i1 to vector<16xi1>
        %reduce_sum3A_41 = tpu.scan <sum>, %parallel_loop3A_39 masked %reduce_sum3A_40 : vector<16xf32>, vector<16xi1> -> vector<16xf32>
        %reduce_sum3A_42 = vector.extract %reduce_sum3A_41[15] : f32 from vector<16xf32>
        %iota3A = tpu.iota {dimensions = array<i32: 0>} : vector<16xi32>
        %eq3A_43 = vector.broadcast %squeeze3A : i32 to vector<16xi32>
        %eq3A_44 = arith.cmpi eq, %iota3A, %eq3A_43 : vector<16xi32>
        %add3A_45 = arith.constant 16 : i32
        %add3A_46 = vector.broadcast %add3A_45 : i32 to vector<16xi32>
        %add3A_47 = arith.addi %iota3A, %add3A_46 : vector<16xi32>
        %eq3A_48 = vector.broadcast %squeeze3A : i32 to vector<16xi32>
        %eq3A_49 = arith.cmpi eq, %add3A_47, %eq3A_48 : vector<16xi32>
        %get3A_50 = arith.constant 0 : index
        %get3A_51 = tpu.vector_load %arg8[%get3A_50] {strides = array<i32>} : memref<32xf32, #tpu.memory_space<vmem>>, vector<16xf32>,
        %jit3A_52 = arith.constant 0.000000e+00 : f32
        %broadcast_in_dim3A_53 = vector.broadcast %reduce_sum3A_42 : f32 to vector<16xf32>
        %broadcast_in_dim3A_54 = vector.broadcast %jit3A_52 : f32 to vector<16xf32>
        %select_n3A_55 = arith.select %eq3A_44, %broadcast_in_dim3A_53, %broadcast_in_dim3A_54 : vector<16xi1>, vector<16xf32>
        %add3A_56 = arith.addf %get3A_51, %select_n3A_55 : vector<16xf32>
        %swap3A_57 = arith.constant 0 : index
        %swap3A_58 = tpu.vector_load %arg8[%swap3A_57] {strides = array<i32>} : memref<32xf32, #tpu.memory_space<vmem>>, vector<16xf32>,
        tpu.vector_store %arg8[%swap3A_57], %add3A_56 {strides = array<i32>} : memref<32xf32, #tpu.memory_space<vmem>>, vector<16xf32>,
        %get3A_59 = arith.constant 16 : index
        %get3A_60 = tpu.vector_load %arg8[%get3A_59] {strides = array<i32>} : memref<32xf32, #tpu.memory_space<vmem>>, vector<16xf32>,
        %jit3A_61 = arith.constant 0.000000e+00 : f32
        %broadcast_in_dim3A_62 = vector.broadcast %reduce_sum3A_42 : f32 to vector<16xf32>
        %broadcast_in_dim3A_63 = vector.broadcast %jit3A_61 : f32 to vector<16xf32>
        %select_n3A_64 = arith.select %eq3A_49, %broadcast_in_dim3A_62, %broadcast_in_dim3A_63 : vector<16xi1>, vector<16xf32>
        %add3A_65 = arith.addf %get3A_60, %select_n3A_64 : vector<16xf32>
        %swap3A_66 = arith.constant 16 : index
        %swap3A_67 = tpu.vector_load %arg8[%swap3A_66] {strides = array<i32>} : memref<32xf32, #tpu.memory_space<vmem>>, vector<16xf32>,
        tpu.vector_store %arg8[%swap3A_66], %add3A_65 {strides = array<i32>} : memref<32xf32, #tpu.memory_space<vmem>>, vector<16xf32>,
        %get3A_68 = arith.constant 0 : index
        %get3A_69 = tpu.vector_load %arg9[%get3A_68] {strides = array<i32>} : memref<32xf32, #tpu.memory_space<vmem>>, vector<16xf32>,
        %jit3A_70 = arith.constant 8.000000e+03 : f32
        %jit3A_71 = arith.constant 0.000000e+00 : f32
        %broadcast_in_dim3A_72 = vector.broadcast %jit3A_70 : f32 to vector<16xf32>
        %broadcast_in_dim3A_73 = vector.broadcast %jit3A_71 : f32 to vector<16xf32>
        %select_n3A_74 = arith.select %eq3A_44, %broadcast_in_dim3A_72, %broadcast_in_dim3A_73 : vector<16xi1>, vector<16xf32>
        %add3A_75 = arith.addf %get3A_69, %select_n3A_74 : vector<16xf32>
        %swap3A_76 = arith.constant 0 : index
        %swap3A_77 = tpu.vector_load %arg9[%swap3A_76] {strides = array<i32>} : memref<32xf32, #tpu.memory_space<vmem>>, vector<16xf32>,
        tpu.vector_store %arg9[%swap3A_76], %add3A_75 {strides = array<i32>} : memref<32xf32, #tpu.memory_space<vmem>>, vector<16xf32>,
        %get3A_78 = arith.constant 16 : index
        %get3A_79 = tpu.vector_load %arg9[%get3A_78] {strides = array<i32>} : memref<32xf32, #tpu.memory_space<vmem>>, vector<16xf32>,
        %jit3A_80 = arith.constant 8.000000e+03 : f32
        %jit3A_81 = arith.constant 0.000000e+00 : f32
        %broadcast_in_dim3A_82 = vector.broadcast %jit3A_80 : f32 to vector<16xf32>
        %broadcast_in_dim3A_83 = vector.broadcast %jit3A_81 : f32 to vector<16xf32>
        %select_n3A_84 = arith.select %eq3A_49, %broadcast_in_dim3A_82, %broadcast_in_dim3A_83 : vector<16xi1>, vector<16xf32>
        %add3A_85 = arith.addf %get3A_79, %select_n3A_84 : vector<16xf32>
        %swap3A_86 = arith.constant 16 : index
        %swap3A_87 = tpu.vector_load %arg9[%swap3A_86] {strides = array<i32>} : memref<32xf32, #tpu.memory_space<vmem>>, vector<16xf32>,
        tpu.vector_store %arg9[%swap3A_86], %add3A_85 {strides = array<i32>} : memref<32xf32, #tpu.memory_space<vmem>>, vector<16xf32>,
      } else {
      }
      %ne3A = arith.cmpi ne, %squeeze3A, %squeeze3A_32 : i32
      %convert_element_type3A_34 = arith.extui %ne3A : i1 to i32
      %cond3A_35 = arith.constant 0 : i32
      %cond3A_36 = arith.cmpi ne, %convert_element_type3A_34, %cond3A_35 : i32
      scf.if %cond3A_36 {
        %broadcast_in_dim3A_37 = arith.constant 1.000000e+00 : f32
        %broadcast_in_dim3A_38 = vector.broadcast %broadcast_in_dim3A_37 : f32 to vector<16xf32>
        %scan3A = arith.constant 0 : i32
        %scan3A_39 = arith.constant 0 : i32
        %scan3A_40 = arith.constant 500 : i32
        %scan3A_41 = arith.addi %scan3A_39, %scan3A_40 : i32
        %scan3A_42 = arith.constant 1 : i32
        scf.for %scan3A_44 = %scan3A_39 to %scan3A_41 step %scan3A_42  : i32 {
          %mul3A_45 = arith.constant 16 : i32
          %mul3A_46 = arith.muli %scan3A_44, %mul3A_45 : i32
          %get3A_47 = arith.index_cast %mul3A_46 : i32 to index
          %get3A_48 = tpu.vector_load %arg7[%get3A_47] {strides = array<i32>} : memref<8000xi32, #tpu.memory_space<vmem>>, vector<16xi32>,
          %get3A_49 = arith.index_cast %mul3A_46 : i32 to index
          %get3A_50 = tpu.vector_load %arg6[%get3A_49] {strides = array<i32>} : memref<8000xf32, #tpu.memory_space<vmem>>, vector<16xf32>,
          tpu.vector_store_idx %arg8[%get3A_48], %get3A_50 {add = true} : memref<32xf32, #tpu.memory_space<vmem>>[vector<16xi32>], vector<16xf32>,
          tpu.vector_store_idx %arg9[%get3A_48], %broadcast_in_dim3A_38 {add = true} : memref<32xf32, #tpu.memory_space<vmem>>[vector<16xi32>], vector<16xf32>,
        }
        %scan3A_43 = arith.constant 500 : i32
      } else {
      }
    }
    %while3A_21 = arith.constant 1 : i32
    scf.for %while3A_22 = %while3A_19 to %while3A_15 step %while3A_21  : i32 {
      %mul3A_23 = arith.constant 32 : i32
      %mul3A_24 = arith.muli %mul3A_23, %while3A_22 : i32
      %add3A_25 = arith.addi %add3A, %mul3A_24 : i32
      %mul3A_26 = arith.constant 8000 : i32
      %mul3A_27 = arith.muli %add3A_25, %mul3A_26 : i32
      "tpu.region"() ({
        %run_scoped3A = tpu.sem_alloc : memref<!tpu.dma_semaphore, #tpu.memory_space<semaphore_mem>>
        %dma_start3A = tpu.memref_slice %arg2[%mul3A_27] : memref<2000000xf32, #tpu.memory_space<hbm>> -> memref<8000xf32, #tpu.memory_space<hbm>>
        %dma_start3A_37 = tpu.memref_slice %arg2[%mul3A_27] : memref<2000000xf32, #tpu.memory_space<hbm>> -> memref<8000xf32, #tpu.memory_space<hbm>>
        tpu.enqueue_dma source(%dma_start3A_37 : memref<8000xf32, #tpu.memory_space<hbm>>) target(%arg6 : memref<8000xf32, #tpu.memory_space<vmem>>) target_semaphore(%run_scoped3A : memref<!tpu.dma_semaphore, #tpu.memory_space<semaphore_mem>>)
        %dma_wait3A = tpu.memref_slice %arg2[%mul3A_27] : memref<2000000xf32, #tpu.memory_space<hbm>> -> memref<8000xf32, #tpu.memory_space<hbm>>
        %dma_wait3A_38 = tpu.memref_slice %arg2[%mul3A_27] : memref<2000000xf32, #tpu.memory_space<hbm>> -> memref<8000xf32, #tpu.memory_space<hbm>>
        tpu.wait_dma2 semaphore(%run_scoped3A : memref<!tpu.dma_semaphore, #tpu.memory_space<semaphore_mem>>) src(%dma_wait3A_38 : memref<8000xf32, #tpu.memory_space<hbm>>) dst(%arg6 : memref<8000xf32, #tpu.memory_space<vmem>>)
        tpu.yield
      }) : () -> ()
      "tpu.region"() ({
        %run_scoped3A = tpu.sem_alloc : memref<!tpu.dma_semaphore, #tpu.memory_space<semaphore_mem>>
        %dma_start3A = tpu.memref_slice %arg3[%mul3A_27] : memref<2000000xi32, #tpu.memory_space<hbm>> -> memref<8000xi32, #tpu.memory_space<hbm>>
        %dma_start3A_37 = tpu.memref_slice %arg3[%mul3A_27] : memref<2000000xi32, #tpu.memory_space<hbm>> -> memref<8000xi32, #tpu.memory_space<hbm>>
        tpu.enqueue_dma source(%dma_start3A_37 : memref<8000xi32, #tpu.memory_space<hbm>>) target(%arg7 : memref<8000xi32, #tpu.memory_space<vmem>>) target_semaphore(%run_scoped3A : memref<!tpu.dma_semaphore, #tpu.memory_space<semaphore_mem>>)
        %dma_wait3A = tpu.memref_slice %arg3[%mul3A_27] : memref<2000000xi32, #tpu.memory_space<hbm>> -> memref<8000xi32, #tpu.memory_space<hbm>>
        %dma_wait3A_38 = tpu.memref_slice %arg3[%mul3A_27] : memref<2000000xi32, #tpu.memory_space<hbm>> -> memref<8000xi32, #tpu.memory_space<hbm>>
        tpu.wait_dma2 semaphore(%run_scoped3A : memref<!tpu.dma_semaphore, #tpu.memory_space<semaphore_mem>>) src(%dma_wait3A_38 : memref<8000xi32, #tpu.memory_space<hbm>>) dst(%arg7 : memref<8000xi32, #tpu.memory_space<vmem>>)
        tpu.yield
      }) : () -> ()
      %get3A = arith.constant 0 : index
      %get3A_28 = tpu.vector_load %arg7[%get3A] {strides = array<i32>} : memref<8000xi32, #tpu.memory_space<vmem>>, vector<16xi32>,
      %slice3A = vector.extract_strided_slice %get3A_28 {offsets = [0], sizes = [1], strides = [1]} : vector<16xi32> to vector<1xi32>
      %squeeze3A = vector.extract %slice3A[0] : i32 from vector<1xi32>
      %get3A_29 = arith.constant 7984 : index
      %get3A_30 = tpu.vector_load %arg7[%get3A_29] {strides = array<i32>} : memref<8000xi32, #tpu.memory_space<vmem>>, vector<16xi32>,
      %slice3A_31 = vector.extract_strided_slice %get3A_30 {offsets = [15], sizes = [1], strides = [1]} : vector<16xi32> to vector<1xi32>
      %squeeze3A_32 = vector.extract %slice3A_31[0] : i32 from vector<1xi32>
      %eq3A = arith.cmpi eq, %squeeze3A, %squeeze3A_32 : i32
      %convert_element_type3A = arith.extui %eq3A : i1 to i32
      %cond3A = arith.constant 0 : i32
      %cond3A_33 = arith.cmpi ne, %convert_element_type3A, %cond3A : i32
      scf.if %cond3A_33 {
        %parallel_loop3A = arith.constant 0 : i32
        %parallel_loop3A_37 = arith.constant 500 : i32
        %parallel_loop3A_38 = arith.constant 1 : i32
        %parallel_loop3A_39 = scf.for %parallel_loop3A_88 = %parallel_loop3A to %parallel_loop3A_37 step %parallel_loop3A_38 iter_args(%parallel_loop3A_89 = %broadcast_in_dim3A_1) -> (vector<16xf32>)  : i32 {
          %parallel_loop3A_90 = arith.constant 16 : i32
          %parallel_loop3A_91 = arith.muli %parallel_loop3A_88, %parallel_loop3A_90 : i32
          %parallel_loop3A_92 = arith.index_cast %parallel_loop3A_91 : i32 to index
          %parallel_loop3A_93 = tpu.vector_load %arg6[%parallel_loop3A_92] {strides = array<i32>} : memref<8000xf32, #tpu.memory_space<vmem>>, vector<16xf32>,
          %parallel_loop3A_94 = arith.addf %parallel_loop3A_89, %parallel_loop3A_93 : vector<16xf32>
          scf.yield %parallel_loop3A_94 : vector<16xf32>
        } {sc.loop_unroll_factor = 8 : i64, sc.parallel_access}
        %reduce_sum3A = arith.constant true
        %reduce_sum3A_40 = vector.broadcast %reduce_sum3A : i1 to vector<16xi1>
        %reduce_sum3A_41 = tpu.scan <sum>, %parallel_loop3A_39 masked %reduce_sum3A_40 : vector<16xf32>, vector<16xi1> -> vector<16xf32>
        %reduce_sum3A_42 = vector.extract %reduce_sum3A_41[15] : f32 from vector<16xf32>
        %iota3A = tpu.iota {dimensions = array<i32: 0>} : vector<16xi32>
        %eq3A_43 = vector.broadcast %squeeze3A : i32 to vector<16xi32>
        %eq3A_44 = arith.cmpi eq, %iota3A, %eq3A_43 : vector<16xi32>
        %add3A_45 = arith.constant 16 : i32
        %add3A_46 = vector.broadcast %add3A_45 : i32 to vector<16xi32>
        %add3A_47 = arith.addi %iota3A, %add3A_46 : vector<16xi32>
        %eq3A_48 = vector.broadcast %squeeze3A : i32 to vector<16xi32>
        %eq3A_49 = arith.cmpi eq, %add3A_47, %eq3A_48 : vector<16xi32>
        %get3A_50 = arith.constant 0 : index
        %get3A_51 = tpu.vector_load %arg8[%get3A_50] {strides = array<i32>} : memref<32xf32, #tpu.memory_space<vmem>>, vector<16xf32>,
        %jit3A_52 = arith.constant 0.000000e+00 : f32
        %broadcast_in_dim3A_53 = vector.broadcast %reduce_sum3A_42 : f32 to vector<16xf32>
        %broadcast_in_dim3A_54 = vector.broadcast %jit3A_52 : f32 to vector<16xf32>
        %select_n3A_55 = arith.select %eq3A_44, %broadcast_in_dim3A_53, %broadcast_in_dim3A_54 : vector<16xi1>, vector<16xf32>
        %add3A_56 = arith.addf %get3A_51, %select_n3A_55 : vector<16xf32>
        %swap3A_57 = arith.constant 0 : index
        %swap3A_58 = tpu.vector_load %arg8[%swap3A_57] {strides = array<i32>} : memref<32xf32, #tpu.memory_space<vmem>>, vector<16xf32>,
        tpu.vector_store %arg8[%swap3A_57], %add3A_56 {strides = array<i32>} : memref<32xf32, #tpu.memory_space<vmem>>, vector<16xf32>,
        %get3A_59 = arith.constant 16 : index
        %get3A_60 = tpu.vector_load %arg8[%get3A_59] {strides = array<i32>} : memref<32xf32, #tpu.memory_space<vmem>>, vector<16xf32>,
        %jit3A_61 = arith.constant 0.000000e+00 : f32
        %broadcast_in_dim3A_62 = vector.broadcast %reduce_sum3A_42 : f32 to vector<16xf32>
        %broadcast_in_dim3A_63 = vector.broadcast %jit3A_61 : f32 to vector<16xf32>
        %select_n3A_64 = arith.select %eq3A_49, %broadcast_in_dim3A_62, %broadcast_in_dim3A_63 : vector<16xi1>, vector<16xf32>
        %add3A_65 = arith.addf %get3A_60, %select_n3A_64 : vector<16xf32>
        %swap3A_66 = arith.constant 16 : index
        %swap3A_67 = tpu.vector_load %arg8[%swap3A_66] {strides = array<i32>} : memref<32xf32, #tpu.memory_space<vmem>>, vector<16xf32>,
        tpu.vector_store %arg8[%swap3A_66], %add3A_65 {strides = array<i32>} : memref<32xf32, #tpu.memory_space<vmem>>, vector<16xf32>,
        %get3A_68 = arith.constant 0 : index
        %get3A_69 = tpu.vector_load %arg9[%get3A_68] {strides = array<i32>} : memref<32xf32, #tpu.memory_space<vmem>>, vector<16xf32>,
        %jit3A_70 = arith.constant 8.000000e+03 : f32
        %jit3A_71 = arith.constant 0.000000e+00 : f32
        %broadcast_in_dim3A_72 = vector.broadcast %jit3A_70 : f32 to vector<16xf32>
        %broadcast_in_dim3A_73 = vector.broadcast %jit3A_71 : f32 to vector<16xf32>
        %select_n3A_74 = arith.select %eq3A_44, %broadcast_in_dim3A_72, %broadcast_in_dim3A_73 : vector<16xi1>, vector<16xf32>
        %add3A_75 = arith.addf %get3A_69, %select_n3A_74 : vector<16xf32>
        %swap3A_76 = arith.constant 0 : index
        %swap3A_77 = tpu.vector_load %arg9[%swap3A_76] {strides = array<i32>} : memref<32xf32, #tpu.memory_space<vmem>>, vector<16xf32>,
        tpu.vector_store %arg9[%swap3A_76], %add3A_75 {strides = array<i32>} : memref<32xf32, #tpu.memory_space<vmem>>, vector<16xf32>,
        %get3A_78 = arith.constant 16 : index
        %get3A_79 = tpu.vector_load %arg9[%get3A_78] {strides = array<i32>} : memref<32xf32, #tpu.memory_space<vmem>>, vector<16xf32>,
        %jit3A_80 = arith.constant 8.000000e+03 : f32
        %jit3A_81 = arith.constant 0.000000e+00 : f32
        %broadcast_in_dim3A_82 = vector.broadcast %jit3A_80 : f32 to vector<16xf32>
        %broadcast_in_dim3A_83 = vector.broadcast %jit3A_81 : f32 to vector<16xf32>
        %select_n3A_84 = arith.select %eq3A_49, %broadcast_in_dim3A_82, %broadcast_in_dim3A_83 : vector<16xi1>, vector<16xf32>
        %add3A_85 = arith.addf %get3A_79, %select_n3A_84 : vector<16xf32>
        %swap3A_86 = arith.constant 16 : index
        %swap3A_87 = tpu.vector_load %arg9[%swap3A_86] {strides = array<i32>} : memref<32xf32, #tpu.memory_space<vmem>>, vector<16xf32>,
        tpu.vector_store %arg9[%swap3A_86], %add3A_85 {strides = array<i32>} : memref<32xf32, #tpu.memory_space<vmem>>, vector<16xf32>,
      } else {
      }
      %ne3A = arith.cmpi ne, %squeeze3A, %squeeze3A_32 : i32
      %convert_element_type3A_34 = arith.extui %ne3A : i1 to i32
      %cond3A_35 = arith.constant 0 : i32
      %cond3A_36 = arith.cmpi ne, %convert_element_type3A_34, %cond3A_35 : i32
      scf.if %cond3A_36 {
        %broadcast_in_dim3A_37 = arith.constant 1.000000e+00 : f32
        %broadcast_in_dim3A_38 = vector.broadcast %broadcast_in_dim3A_37 : f32 to vector<16xf32>
        %scan3A = arith.constant 0 : i32
        %scan3A_39 = arith.constant 0 : i32
        %scan3A_40 = arith.constant 500 : i32
        %scan3A_41 = arith.addi %scan3A_39, %scan3A_40 : i32
        %scan3A_42 = arith.constant 1 : i32
        scf.for %scan3A_44 = %scan3A_39 to %scan3A_41 step %scan3A_42  : i32 {
          %mul3A_45 = arith.constant 16 : i32
          %mul3A_46 = arith.muli %scan3A_44, %mul3A_45 : i32
          %get3A_47 = arith.index_cast %mul3A_46 : i32 to index
          %get3A_48 = tpu.vector_load %arg7[%get3A_47] {strides = array<i32>} : memref<8000xi32, #tpu.memory_space<vmem>>, vector<16xi32>,
          %get3A_49 = arith.index_cast %mul3A_46 : i32 to index
          %get3A_50 = tpu.vector_load %arg6[%get3A_49] {strides = array<i32>} : memref<8000xf32, #tpu.memory_space<vmem>>, vector<16xf32>,
          tpu.vector_store_idx %arg8[%get3A_48], %get3A_50 {add = true} : memref<32xf32, #tpu.memory_space<vmem>>[vector<16xi32>], vector<16xf32>,
          tpu.vector_store_idx %arg9[%get3A_48], %broadcast_in_dim3A_38 {add = true} : memref<32xf32, #tpu.memory_space<vmem>>[vector<16xi32>], vector<16xf32>,
        }
        %scan3A_43 = arith.constant 500 : i32
      } else {
      }
    }
    "tpu.region"() ({
      %run_scoped3A = tpu.sem_alloc : memref<!tpu.dma_semaphore, #tpu.memory_space<semaphore_mem>>
      %dma_start3A = arith.constant 0 : i32
      %dma_start3A_22 = tpu.memref_slice %arg4[%add3A, %dma_start3A] : memref<32x32xf32, #tpu.memory_space<hbm>> -> memref<1x32xf32, #tpu.memory_space<hbm>>
      %dma_start3A_23 = tpu.memref_squeeze %dma_start3A_22 : memref<1x32xf32, #tpu.memory_space<hbm>> -> memref<32xf32, #tpu.memory_space<hbm>>
      %dma_start3A_24 = arith.constant 0 : i32
      %dma_start3A_25 = tpu.memref_slice %arg4[%add3A, %dma_start3A_24] : memref<32x32xf32, #tpu.memory_space<hbm>> -> memref<1x32xf32, #tpu.memory_space<hbm>>
      %dma_start3A_26 = tpu.memref_squeeze %dma_start3A_25 : memref<1x32xf32, #tpu.memory_space<hbm>> -> memref<32xf32, #tpu.memory_space<hbm>>
      tpu.enqueue_dma source(%arg8 : memref<32xf32, #tpu.memory_space<vmem>>) target(%dma_start3A_26 : memref<32xf32, #tpu.memory_space<hbm>>) target_semaphore(%run_scoped3A : memref<!tpu.dma_semaphore, #tpu.memory_space<semaphore_mem>>)
      %dma_wait3A = arith.constant 0 : i32
      %dma_wait3A_27 = tpu.memref_slice %arg4[%add3A, %dma_wait3A] : memref<32x32xf32, #tpu.memory_space<hbm>> -> memref<1x32xf32, #tpu.memory_space<hbm>>
      %dma_wait3A_28 = tpu.memref_squeeze %dma_wait3A_27 : memref<1x32xf32, #tpu.memory_space<hbm>> -> memref<32xf32, #tpu.memory_space<hbm>>
      %dma_wait3A_29 = arith.constant 0 : i32
      %dma_wait3A_30 = tpu.memref_slice %arg4[%add3A, %dma_wait3A_29] : memref<32x32xf32, #tpu.memory_space<hbm>> -> memref<1x32xf32, #tpu.memory_space<hbm>>
      %dma_wait3A_31 = tpu.memref_squeeze %dma_wait3A_30 : memref<1x32xf32, #tpu.memory_space<hbm>> -> memref<32xf32, #tpu.memory_space<hbm>>
      tpu.wait_dma2 semaphore(%run_scoped3A : memref<!tpu.dma_semaphore, #tpu.memory_space<semaphore_mem>>) src(%arg8 : memref<32xf32, #tpu.memory_space<vmem>>) dst(%dma_wait3A_31 : memref<32xf32, #tpu.memory_space<hbm>>)
      tpu.yield
    }) : () -> ()
    "tpu.region"() ({
      %run_scoped3A = tpu.sem_alloc : memref<!tpu.dma_semaphore, #tpu.memory_space<semaphore_mem>>
      %dma_start3A = arith.constant 0 : i32
      %dma_start3A_22 = tpu.memref_slice %arg5[%add3A, %dma_start3A] : memref<32x32xf32, #tpu.memory_space<hbm>> -> memref<1x32xf32, #tpu.memory_space<hbm>>
      %dma_start3A_23 = tpu.memref_squeeze %dma_start3A_22 : memref<1x32xf32, #tpu.memory_space<hbm>> -> memref<32xf32, #tpu.memory_space<hbm>>
      %dma_start3A_24 = arith.constant 0 : i32
      %dma_start3A_25 = tpu.memref_slice %arg5[%add3A, %dma_start3A_24] : memref<32x32xf32, #tpu.memory_space<hbm>> -> memref<1x32xf32, #tpu.memory_space<hbm>>
      %dma_start3A_26 = tpu.memref_squeeze %dma_start3A_25 : memref<1x32xf32, #tpu.memory_space<hbm>> -> memref<32xf32, #tpu.memory_space<hbm>>
      tpu.enqueue_dma source(%arg9 : memref<32xf32, #tpu.memory_space<vmem>>) target(%dma_start3A_26 : memref<32xf32, #tpu.memory_space<hbm>>) target_semaphore(%run_scoped3A : memref<!tpu.dma_semaphore, #tpu.memory_space<semaphore_mem>>)
      %dma_wait3A = arith.constant 0 : i32
      %dma_wait3A_27 = tpu.memref_slice %arg5[%add3A, %dma_wait3A] : memref<32x32xf32, #tpu.memory_space<hbm>> -> memref<1x32xf32, #tpu.memory_space<hbm>>
      %dma_wait3A_28 = tpu.memref_squeeze %dma_wait3A_27 : memref<1x32xf32, #tpu.memory_space<hbm>> -> memref<32xf32, #tpu.memory_space<hbm>>
      %dma_wait3A_29 = arith.constant 0 : i32
      %dma_wait3A_30 = tpu.memref_slice %arg5[%add3A, %dma_wait3A_29] : memref<32x32xf32, #tpu.memory_space<hbm>> -> memref<1x32xf32, #tpu.memory_space<hbm>>
      %dma_wait3A_31 = tpu.memref_squeeze %dma_wait3A_30 : memref<1x32xf32, #tpu.memory_space<hbm>> -> memref<32xf32, #tpu.memory_space<hbm>>
      tpu.wait_dma2 semaphore(%run_scoped3A : memref<!tpu.dma_semaphore, #tpu.memory_space<semaphore_mem>>) src(%arg9 : memref<32xf32, #tpu.memory_space<vmem>>) dst(%dma_wait3A_31 : memref<32xf32, #tpu.memory_space<hbm>>)
      tpu.yield
    }) : () -> ()
    return
  }
}

module attributes {stable_mosaic.version = 14 : i64} {
  func.func @_dense_body(%arg0: i32, %arg1: memref<1x8xf32, #tpu.memory_space<vmem>>, %arg2: memref<131072xf32, #tpu.memory_space<vmem>>, %arg3: memref<131072xf32, #tpu.memory_space<vmem>>, %arg4: memref<131072xf32, #tpu.memory_space<vmem>>, %arg5: memref<131072xf32, #tpu.memory_space<vmem>>, %arg6: memref<131072xf32, #tpu.memory_space<vmem>>, %arg7: memref<131072xf32, #tpu.memory_space<vmem>>, %arg8: memref<131072xf32, #tpu.memory_space<vmem>>) attributes {dimension_semantics = [#tpu.dimension_semantics<arbitrary>], iteration_bounds = array<i64: 16>, scalar_prefetch = 0 : i64, scratch_operands = 0 : i64, tpu.core_type = #tpu.core_type<tc>, window_params = [{pipeline_mode = #tpu.pipeline_mode<synchronous>, transform_indices = @transform_0, window_bounds = array<i64: 1, 8>}, {transform_indices = @transform_1, window_bounds = array<i64: 131072>}, {transform_indices = @transform_2, window_bounds = array<i64: 131072>}, {transform_indices = @transform_3, window_bounds = array<i64: 131072>}, {transform_indices = @transform_4, window_bounds = array<i64: 131072>}, {transform_indices = @transform_5, window_bounds = array<i64: 131072>}, {transform_indices = @transform_6, window_bounds = array<i64: 131072>}, {transform_indices = @transform_7, window_bounds = array<i64: 131072>}]} {
    %get3A = arith.constant 0 : index
    %get3A_0 = vector.load %arg2[%get3A] : memref<131072xf32, #tpu.memory_space<vmem>>, vector<131072xf32>
    %abs3A = math.absf %get3A_0 : vector<131072xf32>
    %max3A = arith.constant 1.000000e-03 : f32
    %max3A_1 = vector.broadcast %max3A : f32 to vector<131072xf32>
    %max3A_2 = arith.maximumf %abs3A, %max3A_1 : vector<131072xf32>
    %get3A_3 = arith.constant 0 : index
    %get3A_4 = vector.load %arg3[%get3A_3] : memref<131072xf32, #tpu.memory_space<vmem>>, vector<131072xf32>
    %max3A_5 = arith.constant 1.000000e-03 : f32
    %max3A_6 = vector.broadcast %max3A_5 : f32 to vector<131072xf32>
    %max3A_7 = arith.maximumf %get3A_4, %max3A_6 : vector<131072xf32>
    %log3A = math.log %max3A_7 : vector<131072xf32>
    %log3A_8 = math.log %max3A_2 : vector<131072xf32>
    %sub3A = arith.subf %log3A, %log3A_8 : vector<131072xf32>
    %swap3A = arith.constant 0 : index
    %swap3A_9 = vector.load %arg7[%swap3A] : memref<131072xf32, #tpu.memory_space<vmem>>, vector<131072xf32>
    tpu.vector_store %arg7[%swap3A], %sub3A {strides = array<i32>} : memref<131072xf32, #tpu.memory_space<vmem>>, vector<131072xf32>,
    %get3A_10 = arith.constant 0 : index
    %get3A_11 = arith.constant 0 : index
    %get3A_12 = vector.load %arg1[%get3A_10, %get3A_11] : memref<1x8xf32, #tpu.memory_space<vmem>>, vector<1x1xf32>
    %get3A_13 = vector.extract %get3A_12[0, 0] : f32 from vector<1x1xf32>
    %mul3A = arith.constant -19.7392082 : f32
    %mul3A_14 = arith.mulf %mul3A, %get3A_13 : f32
    %get3A_15 = arith.constant 0 : index
    %get3A_16 = arith.constant 1 : index
    %get3A_17 = vector.load %arg1[%get3A_15, %get3A_16] : memref<1x8xf32, #tpu.memory_space<vmem>>, vector<1x1xf32>
    %get3A_18 = vector.extract %get3A_17[0, 0] : f32 from vector<1x1xf32>
    %mul3A_19 = arith.constant -19.7392082 : f32
    %mul3A_20 = arith.mulf %mul3A_19, %get3A_18 : f32
    %get3A_21 = arith.constant 0 : index
    %get3A_22 = arith.constant 2 : index
    %get3A_23 = vector.load %arg1[%get3A_21, %get3A_22] : memref<1x8xf32, #tpu.memory_space<vmem>>, vector<1x1xf32>
    %get3A_24 = vector.extract %get3A_23[0, 0] : f32 from vector<1x1xf32>
    %mul3A_25 = arith.constant -19.7392082 : f32
    %mul3A_26 = arith.mulf %mul3A_25, %get3A_24 : f32
    %get3A_27 = arith.constant 0 : index
    %get3A_28 = arith.constant 3 : index
    %get3A_29 = vector.load %arg1[%get3A_27, %get3A_28] : memref<1x8xf32, #tpu.memory_space<vmem>>, vector<1x1xf32>
    %get3A_30 = vector.extract %get3A_29[0, 0] : f32 from vector<1x1xf32>
    %mul3A_31 = arith.constant -39.4784164 : f32
    %mul3A_32 = arith.mulf %mul3A_31, %get3A_30 : f32
    %get3A_33 = arith.constant 0 : index
    %get3A_34 = arith.constant 4 : index
    %get3A_35 = vector.load %arg1[%get3A_33, %get3A_34] : memref<1x8xf32, #tpu.memory_space<vmem>>, vector<1x1xf32>
    %get3A_36 = vector.extract %get3A_35[0, 0] : f32 from vector<1x1xf32>
    %mul3A_37 = arith.constant -39.4784164 : f32
    %mul3A_38 = arith.mulf %mul3A_37, %get3A_36 : f32
    %get3A_39 = arith.constant 0 : index
    %get3A_40 = arith.constant 5 : index
    %get3A_41 = vector.load %arg1[%get3A_39, %get3A_40] : memref<1x8xf32, #tpu.memory_space<vmem>>, vector<1x1xf32>
    %get3A_42 = vector.extract %get3A_41[0, 0] : f32 from vector<1x1xf32>
    %mul3A_43 = arith.constant -39.4784164 : f32
    %mul3A_44 = arith.mulf %mul3A_43, %get3A_42 : f32
    %get3A_45 = arith.constant 0 : index
    %get3A_46 = vector.load %arg4[%get3A_45] : memref<131072xf32, #tpu.memory_space<vmem>>, vector<131072xf32>
    %get3A_47 = arith.constant 0 : index
    %get3A_48 = vector.load %arg5[%get3A_47] : memref<131072xf32, #tpu.memory_space<vmem>>, vector<131072xf32>
    %get3A_49 = arith.constant 0 : index
    %get3A_50 = vector.load %arg6[%get3A_49] : memref<131072xf32, #tpu.memory_space<vmem>>, vector<131072xf32>
    %mul3A_51 = vector.broadcast %mul3A_14 : f32 to vector<131072xf32>
    %mul3A_52 = arith.mulf %mul3A_51, %get3A_46 : vector<131072xf32>
    %mul3A_53 = arith.mulf %mul3A_52, %get3A_46 : vector<131072xf32>
    %mul3A_54 = vector.broadcast %mul3A_20 : f32 to vector<131072xf32>
    %mul3A_55 = arith.mulf %mul3A_54, %get3A_48 : vector<131072xf32>
    %mul3A_56 = arith.mulf %mul3A_55, %get3A_48 : vector<131072xf32>
    %add3A = arith.addf %mul3A_53, %mul3A_56 : vector<131072xf32>
    %mul3A_57 = vector.broadcast %mul3A_26 : f32 to vector<131072xf32>
    %mul3A_58 = arith.mulf %mul3A_57, %get3A_50 : vector<131072xf32>
    %mul3A_59 = arith.mulf %mul3A_58, %get3A_50 : vector<131072xf32>
    %add3A_60 = arith.addf %add3A, %mul3A_59 : vector<131072xf32>
    %mul3A_61 = vector.broadcast %mul3A_32 : f32 to vector<131072xf32>
    %mul3A_62 = arith.mulf %mul3A_61, %get3A_46 : vector<131072xf32>
    %mul3A_63 = arith.mulf %mul3A_62, %get3A_48 : vector<131072xf32>
    %add3A_64 = arith.addf %add3A_60, %mul3A_63 : vector<131072xf32>
    %mul3A_65 = vector.broadcast %mul3A_38 : f32 to vector<131072xf32>
    %mul3A_66 = arith.mulf %mul3A_65, %get3A_46 : vector<131072xf32>
    %mul3A_67 = arith.mulf %mul3A_66, %get3A_50 : vector<131072xf32>
    %add3A_68 = arith.addf %add3A_64, %mul3A_67 : vector<131072xf32>
    %mul3A_69 = vector.broadcast %mul3A_44 : f32 to vector<131072xf32>
    %mul3A_70 = arith.mulf %mul3A_69, %get3A_48 : vector<131072xf32>
    %mul3A_71 = arith.mulf %mul3A_70, %get3A_50 : vector<131072xf32>
    %add3A_72 = arith.addf %add3A_68, %mul3A_71 : vector<131072xf32>
    %exp3A = math.exp %add3A_72 : vector<131072xf32>
    %mul3A_73 = arith.mulf %max3A_2, %exp3A : vector<131072xf32>
    %swap3A_74 = arith.constant 0 : index
    %swap3A_75 = vector.load %arg8[%swap3A_74] : memref<131072xf32, #tpu.memory_space<vmem>>, vector<131072xf32>
    tpu.vector_store %arg8[%swap3A_74], %mul3A_73 {strides = array<i32>} : memref<131072xf32, #tpu.memory_space<vmem>>, vector<131072xf32>,
    return
  }
  func.func @transform_0(%arg0: i32) -> (i32, i32) {
    %c0_i32 = arith.constant 0 : i32
    %c0_i32_0 = arith.constant 0 : i32
    %c0_i32_1 = arith.constant 0 : i32
    return %c0_i32, %c0_i32_0 : i32, i32
  }
  func.func @transform_1(%arg0: i32) -> i32 {
    %c0_i32 = arith.constant 0 : i32
    return %arg0 : i32
  }
  func.func @transform_2(%arg0: i32) -> i32 {
    %c0_i32 = arith.constant 0 : i32
    return %arg0 : i32
  }
  func.func @transform_3(%arg0: i32) -> i32 {
    %c0_i32 = arith.constant 0 : i32
    return %arg0 : i32
  }
  func.func @transform_4(%arg0: i32) -> i32 {
    %c0_i32 = arith.constant 0 : i32
    return %arg0 : i32
  }
  func.func @transform_5(%arg0: i32) -> i32 {
    %c0_i32 = arith.constant 0 : i32
    return %arg0 : i32
  }
  func.func @transform_6(%arg0: i32) -> i32 {
    %c0_i32 = arith.constant 0 : i32
    return %arg0 : i32
  }
  func.func @transform_7(%arg0: i32) -> i32 {
    %c0_i32 = arith.constant 0 : i32
    return %arg0 : i32
  }
}

</mosaic_0001>

<sc_bundles>
// kernel: kernel.5.cloned.1.call-start
scs
__scs_entry_jumppad:
0x0: {  	(pc) =	sbr.rel $0x88, $3  }
0x1: {  	(tag) =	ssettag $0x0;
	lr =	simm.s32 $0x1  }
0x2: {  	[smem:$0x3F9C] =	sst lr;
	_ =	strace $0xD0000000  }
0x3: {  	_ = 	snop  }
0x4: {  	_ = 	snop  }
0x5: {  	_ = 	snop  }
0x6: {  	_ = 	snop  }
0x7: {  	_ = 	snop  }
__scs_overlays_trampoline_lowered:
0x8: {  	[smem:$0x3FAB] =	sst s0  }
0x9: {  	[smem:$0x3FAC] =	sst s1  }
0xa: {  	[smem:$0x3FAD] =	sst s2  }
0xb: {  	[smem:$0x3FAE] =	sst s3  }
0xc: {  	[smem:$0x3FAF] =	sst s4  }
0xd: {  	[smem:$0x3FB0] =	sst s5  }
0xe: {  	[smem:$0x3FB1] =	sst s6  }
0xf: {  	[smem:$0x3FB2] =	sst s7  }
0x10: {  	[smem:$0x3FB3] =	sst s8  }
0x11: {  	[smem:$0x3FB4] =	sst s9;
	s0 =	simm.s32 @!p0 $0x0  }
0x12: {  	s1 =	sld [smem:$0x3F9A];
	s0 =	simm.s32 @p0 $0x1  }
0x13: {  	[smem:$0x3FB5] =	sst s0;
	s0 =	simm.s32 @!p1 $0x0  }
0x14: {  	s2 =	sld [smem:$0x3F99];
	s0 =	simm.s32 @p1 $0x1  }
0x15: {  	[smem:$0x3FB6] =	sst s0;
	s0 =	simm.s32 @!p2 $0x0  }
0x16: {  	s3 =	sld [smem:$0x3FDB];
	s0 =	simm.s32 @p2 $0x1  }
0x17: {  	s4 =	simm.s32 $0x1BF5;
	[smem:$0x3FB8] =	sst s0  }
0x18: {  	s0 =	sld [smem:$0x3F9B];
	_ =	swait.ge [sflag:s4], $0x0  }
0x19: {  	s7 =	sld [smem:$0x3F9C]  }
0x1a: {  	s8 =	sadd.s32 $0xFFFFE003, lr  }
0x1b: {  	s9 =	sadd.s32 $0xFFFFFEF7, lr;
	s5 =	simm.s32 $0xFFFFFFFF;
	p2 =	slt.u32 s8, $0xFFFFF086  }
0x1c: {  	p1 =	slt.u32 s9, $0xF7A;
	s5 =	simm.s32 @!p2 $0x0  }
0x1d: {  	s5 =	simm.s32 @p1 $0x1;
	p0 =	seq.s32 s7, s2  }
0x1e: {  	s7 =	smul.u32 @!p0 $0xF7A, s2;
	p2 =	seq.s32 @!p0 s5, $0x0  }
0x1f: {  	s9 =	smul.u32 $0xF7A, s1;
	s8 =	simm.s32 @!p0 $0x1BF5;
	p2 =	por !p2, p0  }
0x20: {  	[sflag:s8] =	ssyncset.s32 @!p0 $0xFFFFF086;
	s6 =	sadd.s32 @!p0 s3, s7;
	s7 =	simm.s32 @!p0 $0x108  }
0x21: {  	s3 =	sadd.s32 s3, s9;
	s6 =	sadd.s32 @!p0 $0x88, s6;
	s7 =	simm.s32 @p2 $0x1082  }
0x22: {  	[simem:s7], [sflag:s8] =	dma.local @!p0 [hbm:s6], $0xF7A  }
0x23: {  	s9 =	sor.u32 $0xD0000000, s2;
	s6 =	simm.s32 $0x108;
	_ =	swait.ge @!p0 [sflag:s8], $0x0  }
0x24: {  	s3 =	sadd.s32 $0x88, s3;
	s6 =	simm.s32 @!p1 $0x1082;
	[sflag:s4] =	ssyncset.s32 $0xFFFFF086  }
0x25: {  	[simem:s6], [sflag:s4] =	dma.local [hbm:s3], $0xF7A  }
0x26: {  	[smem:$0x3F9C] =	sst s1;
	(tag) =	ssettag s2;
	_ =	strace s9  }
0x27: {  	s1 =	sld [smem:$0x3FAC]  }
0x28: {  	s2 =	sld [smem:$0x3FAD]  }
0x29: {  	s4 =	sld [smem:$0x3FAF]  }
0x2a: {  	p0 =	seq.s32 s5, $0x0;
	s5 =	sld [smem:$0x3FB0]  }
0x2b: {  	s6 =	sld [smem:$0x3FB1]  }
0x2c: {  	s7 =	sld [smem:$0x3FB2]  }
0x2d: {  	s3 =	simm.s32 $0x108;
	s8 =	sld [smem:$0x3FB3]  }
0x2e: {  	s3 =	simm.s32 @!p0 $0x1082;
	s9 =	sld [smem:$0x3FB4]  }
0x2f: {  	lr =	sadd.s32 s0, s3;
	s0 =	sld [smem:$0x3FAB]  }
0x30: {  	s3 =	sld [smem:$0x3FAE]  }
0x31: {  	[smem:$0x3FB7] =	sst s10  }
0x32: {  	s10 =	sld [smem:$0x3FB5];
	_ =	sdelay $0x3  }
0x33: {  	p0 =	seq.s32 s10, $0x1;
	s10 =	sld [smem:$0x3FB7];
	_ =	sdelay $0x3  }
0x34: {  	[smem:$0x3FB7] =	sst s10  }
0x35: {  	s10 =	sld [smem:$0x3FB6];
	_ =	sdelay $0x3  }
0x36: {  	p1 =	seq.s32 s10, $0x1;
	s10 =	sld [smem:$0x3FB7];
	_ =	sdelay $0x3  }
0x37: {  	[smem:$0x3FB7] =	sst s10  }
0x38: {  	s10 =	sld [smem:$0x3FB8]  }
0x39: {  	_ = 	snop;
	(pc) =	sbr.ind lr, $3  }
0x3a: {  	_ = 	snop  }
0x3b: {  	_ = 	snop  }
0x3c: {  	p2 =	seq.s32 s10, $0x1;
	s10 =	sld [smem:$0x3FB7]  }
0x3d: {  	_ =	shalt  }
0x3e: {  	_ =	shalt  }
0x3f: {  	_ =	shalt  }
0x40: {  	_ =	shalt  }
0x41: {  	_ =	shalt  }
0x42: {  	_ =	shalt  }
0x43: {  	_ =	shalt  }
0x44: {  	_ =	shalt  }
0x45: {  	_ =	shalt  }
0x46: {  	_ =	shalt  }
0x47: {  	_ =	shalt  }
0x48: {  	_ =	shalt  }
0x49: {  	_ =	shalt  }
0x4a: {  	_ =	shalt  }
0x4b: {  	_ =	shalt  }
0x4c: {  	_ =	shalt  }
0x4d: {  	_ =	shalt  }
0x4e: {  	_ =	shalt  }
0x4f: {  	_ =	shalt  }
0x50: {  	_ =	shalt  }
0x51: {  	_ =	shalt  }
0x52: {  	_ =	shalt  }
0x53: {  	_ =	shalt  }
0x54: {  	_ =	shalt  }
0x55: {  	_ =	shalt  }
0x56: {  	_ =	shalt  }
0x57: {  	_ =	shalt  }
0x58: {  	_ =	shalt  }
0x59: {  	_ =	shalt  }
0x5a: {  	_ =	shalt  }
0x5b: {  	_ =	shalt  }
0x5c: {  	_ =	shalt  }
0x5d: {  	_ =	shalt  }
0x5e: {  	_ =	shalt  }
0x5f: {  	_ =	shalt  }
0x60: {  	_ =	shalt  }
0x61: {  	_ =	shalt  }
0x62: {  	_ =	shalt  }
0x63: {  	_ =	shalt  }
0x64: {  	_ =	shalt  }
0x65: {  	_ =	shalt  }
0x66: {  	_ =	shalt  }
0x67: {  	_ =	shalt  }
0x68: {  	_ =	shalt  }
0x69: {  	_ =	shalt  }
0x6a: {  	_ =	shalt  }
0x6b: {  	_ =	shalt  }
0x6c: {  	_ =	shalt  }
0x6d: {  	_ =	shalt  }
0x6e: {  	_ =	shalt  }
0x6f: {  	_ =	shalt  }
0x70: {  	_ =	shalt  }
0x71: {  	_ =	shalt  }
0x72: {  	_ =	shalt  }
0x73: {  	_ =	shalt  }
0x74: {  	_ =	shalt  }
0x75: {  	_ =	shalt  }
0x76: {  	_ =	shalt  }
0x77: {  	_ =	shalt  }
0x78: {  	_ =	shalt  }
0x79: {  	_ =	shalt  }
0x7a: {  	_ =	shalt  }
0x7b: {  	_ =	shalt  }
0x7c: {  	_ =	shalt  }
0x7d: {  	_ =	shalt  }
0x7e: {  	_ =	shalt  }
0x7f: {  	_ =	shalt  }
0x80: {  	_ =	shalt  }
0x81: {  	_ =	shalt  }
0x82: {  	_ =	shalt  }
0x83: {  	_ =	shalt  }
0x84: {  	_ =	shalt  }
0x85: {  	_ =	shalt  }
0x86: {  	_ =	shalt  }
0x87: {  	_ =	shalt  }
.Lfunc_end0:
.L_simem_size_0:
called_computation_lowered:
.L_overlay_start_0:
0x88: {  	s2 =	sld [smem:$0x3FD9]  }
0x89: {  	s3 =	sld [smem:$0x3FFE];
	_ =	sdelay $0x1  }
0x8a: {  	s1 =	srdreg.scid  }
0x8b: {  	s0 =	sand.u32 $0x1, s1  }
0x8c: {  	s17 =	sshll.u32 s0, $0xA;
	s2 =	sadd.s32 s3, s2  }
0x8d: {  	s2 =	sadd.s32 s2, s17  }
0x8e: {  	[smem:$0x3FC3] =	sst s2  }
0x8f: {  	_ = 	snop  }
0x90: {  	s2 =	sld [smem:$0x3FC5]  }
0x91: {  	s18 =	sld [smem:$0x3FD0];
	(tm) =	ssettm $0x1  }
0x92: {  	s4 =	sld [smem:$0x3FFB];
	_ =	sdelay $0x3  }
0x93: {  	_ =	strace s4  }
0x94: {  	s4 =	sld [smem:$0x3FFC];
	_ =	sdelay $0x3  }
0x95: {  	_ =	strace s4  }
0x96: {  	s4 =	sld [smem:$0x3FFD];
	_ =	sdelay $0x3  }
0x97: {  	_ =	strace s4  }
0x98: {  	_ =	strace $0x8FFFFFFF  }
0x99: {  	s19 =	sld [smem:$0x3FDB];
	_ =	sdelay $0x1  }
0x9a: {  	s5 =	simm.s32 $_scs_section_size  }
0x9b: {  	s6 =	simm.s32 $_size__tile_overlayer_lowered;
	s7 =	simm.s32 $_tile_overlayer_lowered  }
0x9c: {  	s22 =	simm.s32 $0x1BFF;
	s21 =	sshll.u32 s7, $0x1;
	s4 =	sadd.s32 s5, s19  }
0x9d: {  	s8 =	simm.s32 $0x0;
	s20 =	sshll.u32 s6, $0x1;
	s6 =	sadd.s32 s21, s4  }
0x9e: {  	[timem:s8], [sflag:s22] =	dma.local [hbm:s6], s20  }
0x9f: {  	_ =	swait.ge [sflag:s22], s20  }
0xa0: {  	s5 =	ssub.s32 $0x0, s20;
	[sflag:s22] =	ssyncset.done $0x0  }
0xa1: {  	[sflag:s22] =	ssyncadd.s32 s5;
	_ =	sdelay $0x1  }
0xa2: {  	s23 =	simm.s32 $0x1B8B  }
0xa3: {  	_ =	swait.ge [sflag:s23], $0x1  }
0xa4: {  	[sflag:s23] =	ssyncset.done $0x0  }
0xa5: {  	s25 =	simm.s32 $0x1B8E;
	s24 =	sld [smem:$0x3FFE];
	[sflag:s23] =	ssyncadd.s32 $0xFFFFFFFF  }
0xa6: {  	s26 =	simm.s32 $execute0_lowered;
	[smem:$0x3FD2] =	sst s25  }
0xa7: {  	s6 =	sshll.u32 s26, $0x1;
	_ =	strace $0x80000046;
	[dreg:$0x1] =	wrdreg $0xFFFFFFFF  }
0xa8: {  	s28 =	simm.s32 $_size_execute0_lowered;
	s4 =	sadd.s32 s4, s6;
	[dreg:$0x0] =	wrdreg $0x0  }
0xa9: {  	s6 =	sshll.u32 s28, $0x1;
	[dreg:$0x2] =	wrdreg s4  }
0xaa: {  	[dreg:$0x3] =	wrdreg s6  }
0xab: {  	[dreg:$0x4] =	wrdreg $0xC0  }
0xac: {  	_ =	task [dreg:s8], $0x5FFFF  }
0xad: {  	[dreg:$0x1] =	wrdreg $0xFFFFFFFF  }
0xae: {  	[dreg:$0x0] =	wrdreg $0x60  }
0xaf: {  	[dreg:$0x2] =	wrdreg s18  }
0xb0: {  	[dreg:$0x3] =	wrdreg s2  }
0xb1: {  	[dreg:$0x4] =	wrdreg s24  }
0xb2: {  	[dreg:$0x5] =	wrdreg $0x9  }
0xb3: {  	_ =	task.clear_ibuf [dreg:s8], $0x6FFFF;
	_ =	strace $0x90000046  }
0xb4: {  	s29 =	simm.s32 $0x9;
	_ =	strace $0x80000048  }
0xb5: {  	_ =	swait.ge [sflag:s29], $0x1  }
0xb6: {  	[sflag:s29] =	ssyncadd.s32 $0xFFFFFFFF  }
0xb7: {  	_ =	strace $0x90000048  }
0xb8: {  	_ =	sfence  }
0xb9: {  	s30 =	sld [smem:$0x0];
	_ =	sdelay $0x2  }
0xba: {  	s31 =	sshll.u32 s1, $0xD;
	s1 =	sshrl.u32 s1, $0x2  }
0xbb: {  	s3 =	sand.u32 $0x4000, s31;
	s1 =	sadd.s32 s1, s30  }
0xbc: {  	s0 =	sor.u32 s3, s0;
	s1 =	sshll.u32 s1, $0x11  }
0xbd: {  	s0 =	sor.u32 s1, s0  }
0xbe: {  	s0 =	sadd.s32 $0x8F2B, s0  }
0xbf: {  	[sflag:s0] =	ssyncadd.remote.s32 $0x1  }
0xc0: {  	_ =	sfence.sel $0xFFFF  }
0xc1: {  	[dreg:$0x0] =	wrdreg $0xFFFFFFFF;
	(pc) =	sbr.abs _section_cstart, $3  }
0xc2: {  	[dreg:$0x1] =	wrdreg $0xFFFFFFFF  }
0xc3: {  	_ =	task.clear_ibuf [dreg:s8], $0x2FFFF;
	_ =	strace $0x9FFFFFFF  }
0xc4: {  	(tm) =	ssettm $0x7FFFFFFF  }
0xc5: {  	_ =	shalt  }
tec
execute0_lowered:
.L_overlay_start_1:
0x0: {  	(tag) =	ssettag $0x1  }
0x1: {  	s1 =	rddreg [dreg:$0x0]  }
0x2: {  	s3 =	rddreg [dreg:$0x1];
	s2 =	srdreg.scid  }
0x3: {  	s0 =	stileid.u32;
	s6 =	rddreg [dreg:$0x2]  }
0x4: {  	s4 =	simm.s32 $0x0;
	s10 =	simm.s32 $0x1;
	s11 =	simm.s32 $0x1F80  }
0x5: {  	s12 =	simm.s32 $0x3F00;
	s13 =	simm.s32 $0x3F80;
	s14 =	simm.s32 $0x0  }
0x6: {  	s7 =	sand.u32 $0x1, s2;
	s5 =	sshll.u32 s0, $0x1;
	s2 =	rddreg [dreg:$0x3]  }
.Ltmp0:
0x7: {  	[smem:$0x7FF] =	sst s4;
	s5 =	sor.u32 s7, s5;
	(pc) =	sbr.rel .LBB2_1-.Ltmp0, $4  }
0x8: {  	p0 =	slt.u32 s0, $0xD;
	s7 =	ssub.s32 $0x2, s7;
	s8 =	sshll.u32 s5, $0x4  }
0x9: {  	s31 =	sshrl.u32 s7, $0x1;
	s8 =	sadd.s32 s8, s6;
	s6 =	simm.s32 $0x8  }
0xa: {  	v0 =	vlaneseq.u32;
	_ =	strace $0x80000047;
	s9 =	ssub.s32 s7, s31;
	s6 =	simm.s32 @!p0 $0x7  }
0xb: {  	v1 =	vimm.f32 $0.0e+00;
	v3 =	vimm.f32 $1.000000000e+00;
	v2 =	vor.u32 $0x10, v0;
	s7 =	sadd.s32 $0x3D600, s8;
	s8 =	sadd.s32 $0x3D800, s8;
	s9 =	smax.u32 s9, $0x1  }
.LBB2_12:
0xc: {  	[hbm4b:s7+s4] =	stream.linear.scatter [tilespmem:s12], [sflag:$0x1], $0x80, $0x38;
	[tilespmem:$0x4000] =	vst v63  }
0xd: {  	s14 =	sadd.s32 $0x1, s14;
	_ =	swait.ge [sflag:s10], $0x80  }
0xe: {  	p0 =	sne.s32 s14, s9;
	[sflag:s10] =	ssyncset.done $0x0  }
.Ltmp1:
0xf: {  	[sflag:s10] =	ssyncadd.s32 $0xFFFFFF80;
	(pc) =	sbr.rel @!p0 .LBB2_13-.Ltmp1, $4  }
0x10: {  	[hbm4b:s8+s4] =	stream.linear.scatter [tilespmem:s13], [sflag:$0x1], $0x80, $0x38;
	[tilespmem:$0x4000] =	vst v63  }
0x11: {  	_ =	swait.ge [sflag:s10], $0x80  }
0x12: {  	[sflag:s10] =	ssyncset.done $0x0  }
0x13: {  	[sflag:s10] =	ssyncadd.s32 $0xFFFFFF80  }
.LBB2_1:
.Ltmp2:
0x14: {  	(pc) =	sbr.rel .LBB2_2-.Ltmp2, $4  }
0x15: {  	[tilespmem:$0x3F00] =	vst v1  }
0x16: {  	[tilespmem:$0x3F10] =	vst v1  }
0x17: {  	[tilespmem:$0x3F80] =	vst v1  }
0x18: {  	[tilespmem:$0x3F90] =	vst v1;
	s15 =	simm.s32 $0x0  }
.LBB2_10:
0x19: {  	v5 =	vld [tilespmem:s17+$0x0];
	_ =	sdelay $0x4  }
0x1a: {  	[tilespmem:v4+s12+$0x0] =	vst.idx.add.f32.msk $0xffff, v5  }
0x1b: {  	[tilespmem:v4+s13+$0x0] =	vst.idx.add.f32.msk $0xffff, v3  }
.LBB2_11:
0x1c: {  	s15 =	sadd.s32 $0x1, s15  }
0x1d: {  	p0 =	sne.s32 s15, s6  }
.Ltmp3:
0x1e: {  	_ = 	snop;
	(pc) =	sbr.rel @!p0 .LBB2_12-.Ltmp3, $1  }
0x1f: {  	_ =	sdelay $0x3  }
.LBB2_2:
0x20: {  	s16 =	sshll.u32 s15, $0x5  }
0x21: {  	s16 =	sor.u32 s5, s16  }
0x22: {  	s16 =	smul.u32 $0x1F40, s16;
	_ =	sdelay $0x1  }
0x23: {  	s17 =	sshrl.u32 s16, $0x3  }
0x24: {  	s16 =	simm.s32 $0x0;
	s18 =	sadd.s32 s1, s17  }
0x25: {  	[tilespmem:s16], [sflag:$0x1] =	stream.linear.gather [hbm4b:s18+s16], $0x1F40, $0x38;
	[tilespmem:$0x4000] =	vst v63  }
0x26: {  	_ =	swait.ge [sflag:s10], $0x1F40  }
0x27: {  	[sflag:s10] =	ssyncset.done $0x0  }
0x28: {  	s17 =	sadd.s32 s3, s17;
	[sflag:s10] =	ssyncadd.s32 $0xFFFFE0C0  }
0x29: {  	[tilespmem:s11], [sflag:$0x1] =	stream.linear.gather [hbm4b:s17+s16], $0x1F40, $0x38;
	[tilespmem:$0x4000] =	vst v63  }
0x2a: {  	_ =	swait.ge [sflag:s10], $0x1F40  }
0x2b: {  	[sflag:s10] =	ssyncset.done $0x0  }
0x2c: {  	[sflag:s10] =	ssyncadd.s32 $0xFFFFE0C0  }
0x2d: {  	v4 =	vld [tilespmem:$0x1F80]  }
0x2e: {  	v5 =	vld [tilespmem:$0x3EB0];
	_ =	sdelay $0x3  }
0x2f: {  	(v2sf) =	vpush v4, $0x0  }
0x30: {  	(v2sf) =	vpush v5, $0xF;
	_ =	sdelay $0xd  }
0x31: {  	s30 =	spop (v2sf)  }
0x32: {  	s31 =	spop (v2sf)  }
0x33: {  	p0 =	sne.s32 s30, s31  }
.Ltmp4:
0x34: {  	_ = 	snop;
	(pc) =	sbr.rel @p0 .LBB2_8-.Ltmp4, $1  }
0x35: {  	_ =	sdelay $0x3  }
0x36: {  	s17 =	simm.s32 $0x40  }
0x37: {  	v5 =	vld [tilespmem:s17+$0xFFFFFFC0];
	_ =	sdelay $0x1  }
0x38: {  	v6 =	vld [tilespmem:s17+$0xFFFFFFD0];
	_ =	sdelay $0x1  }
0x39: {  	v7 =	vimm.f32 $0.0e+00;
	v8 =	vld [tilespmem:s17+$0xFFFFFFE0]  }
0x3a: {  	v5 =	vadd.f32 v5, v7  }
0x3b: {  	v7 =	vld [tilespmem:s17+$0xFFFFFFF0]  }
0x3c: {  	v5 =	vadd.f32 v6, v5  }
0x3d: {  	v6 =	vld [tilespmem:s17+$0x0]  }
0x3e: {  	v5 =	vadd.f32 v8, v5;
	_ =	sdelay $0x1  }
0x3f: {  	v8 =	vld [tilespmem:s17+$0x10];
	v5 =	vadd.f32 v7, v5;
	_ =	sdelay $0x1  }
0x40: {  	v7 =	vadd.f32 v6, v5;
	v5 =	vld [tilespmem:s17+$0x20];
	_ =	sdelay $0x1  }
0x41: {  	v6 =	vld [tilespmem:s17+$0x30]  }
0x42: {  	s16 =	simm.s32 $0x0;
	s17 =	simm.s32 $0xC0;
	v7 =	vadd.f32 v8, v7  }
.LBB2_4:
0x43: {  	v8 =	vld [tilespmem:s17+$0xFFFFFFC0];
	s16 =	sadd.s32 $0x8, s16  }
0x44: {  	p0 =	slt.u32 s16, $0x1E8;
	v5 =	vadd.f32 v5, v7  }
0x45: {  	v7 =	vld [tilespmem:s17+$0xFFFFFFD0]  }
0x46: {  	v5 =	vadd.f32 v6, v5  }
0x47: {  	v6 =	vld [tilespmem:s17+$0xFFFFFFE0]  }
0x48: {  	v5 =	vadd.f32 v8, v5  }
0x49: {  	v8 =	vld [tilespmem:s17+$0xFFFFFFF0]  }
0x4a: {  	v5 =	vadd.f32 v7, v5  }
0x4b: {  	v7 =	vld [tilespmem:s17+$0x0]  }
0x4c: {  	v5 =	vadd.f32 v6, v5  }
0x4d: {  	v9 =	vld [tilespmem:s17+$0x10]  }
.Ltmp5:
0x4e: {  	v6 =	vadd.f32 v8, v5;
	(pc) =	sbr.rel @p0 .LBB2_4-.Ltmp5, $4  }
0x4f: {  	v5 =	vld [tilespmem:s17+$0x20]  }
0x50: {  	v7 =	vadd.f32 v7, v6  }
0x51: {  	v6 =	vld [tilespmem:s17+$0x30]  }
0x52: {  	s17 =	sadd.s32 $0x80, s17;
	v7 =	vadd.f32 v9, v7  }
0x53: {  	_ = 	snop  }
0x54: {  	v5 =	vadd.f32 v5, v7;
	_ =	sdelay $0x1  }
0x55: {  	s16 =	simm.s32 $0x0;
	v5 =	vadd.f32 v6, v5  }
.LBB2_6:
0x56: {  	s17 =	sshra.s32 s16, $0x2  }
0x57: {  	p0 =	sne.s32 s16, $0xC0;
	v6 =	vld [tilespmem:s17+$0x1F00]  }
.Ltmp6:
0x58: {  	_ = 	snop;
	(pc) =	sbr.rel @p0 .LBB2_6-.Ltmp6, $2  }
0x59: {  	_ =	sdelay $0x2  }
0x5a: {  	s16 =	sadd.s32 $0x40, s16;
	v5 =	vadd.f32 v6, v5  }
0x5b: {  	_ = 	snop  }
0x5c: {  	(xrf2) =	vadd.scan.msk.f32 $0xffff, v5;
	_ =	sdelay $0x8  }
0x5d: {  	v5 =	vld [tilespmem:$0x3F00]  }
0x5e: {  	v4 =	vbroadcast v4, $0x0;
	v7 =	vld [tilespmem:$0x3F10];
	v6, _, _ =	vpop (xrf2)  }
0x5f: {  	v8 =	vld [tilespmem:$0x3F80];
	v6 =	vbroadcast v6, $0xF  }
0x60: {  	v9 =	vld [tilespmem:$0x3F90];
	vm0 =	veq.s32 v4, v0  }
0x61: {  	vm1 =	veq.s32 v4, v2;
	v4 =	vnsel vm0, $0x0, v6  }
0x62: {  	v4 =	vadd.f32 v5, v4;
	v5 =	vnsel vm1, $0x0, v6  }
.Ltmp7:
0x63: {  	v62 =	vsel vm0, $0x45FA0000, v1;
	v5 =	vadd.f32 v7, v5;
	(pc) =	sbr.rel .LBB2_11-.Ltmp7, $4  }
0x64: {  	v63 =	vsel vm1, $0x45FA0000, v1;
	[tilespmem:$0x3F00] =	vst v4;
	v4 =	vadd.f32 v8, v62  }
0x65: {  	[tilespmem:$0x3F10] =	vst v5;
	v5 =	vadd.f32 v9, v63  }
0x66: {  	[tilespmem:$0x3F80] =	vst v4  }
0x67: {  	[tilespmem:$0x3F90] =	vst v5  }
.LBB2_8:
0x68: {  	s17 =	sshra.s32 s16, $0x2  }
0x69: {  	s16 =	sadd.s32 $0x40, s16;
	v4 =	vld [tilespmem:s17+$0x1F80]  }
.LBB2_9:
0x6a: {  	p0 =	sne.s32 s16, $0x7CC0;
	_ =	sdelay $0x1  }
0x6b: {  	v5 =	vld [tilespmem:s17+$0x0];
	_ =	sdelay $0x2  }
.Ltmp8:
0x6c: {  	(pc) =	sbr.rel @p0 .LBB2_9-.Ltmp8, $4  }
0x6d: {  	_ = 	snop  }
0x6e: {  	[tilespmem:v4+s12+$0x0] =	vst.idx.add.f32.msk $0xffff, v5  }
0x6f: {  	s17 =	sshra.s32 s16, $0x2;
	[tilespmem:v4+s13+$0x0] =	vst.idx.add.f32.msk $0xffff, v3  }
0x70: {  	s16 =	sadd.s32 $0x40, s16;
	v4 =	vld [tilespmem:s17+$0x1F80]  }
.Ltmp9:
0x71: {  	_ = 	snop;
	(pc) =	sbr.rel .LBB2_10-.Ltmp9, $1  }
0x72: {  	_ =	sdelay $0x3  }
.LBB2_13:
0x73: {  	_ =	sfence.sel $0x180000  }
0x74: {  	[bflag:$0x0] =	sbarrier.arrive $0xFFFF  }
0x75: {  	p0 =	sne.s32 s0, $0x0;
	_ =	strace $0x90000047  }
0x76: {  	s0 =	sadd.s32 @!p0 $0x100000, s2;
	[bflag:$0x2] =	sbarrier.arrive $0xFFFF  }
0x77: {  	[sflag:s0] =	ssyncadd.tile.s32 @!p0 $0x1;
	_ =	shalt  }
.Lfunc_end2:
_tile_overlayer_lowered:
.L_overlay_start_2:
0x78: {  	(tag) =	ssettag $0x2  }
0x79: {  	s0 =	rddreg [dreg:$0x0];
	s2 =	stileid.u32  }
0x7a: {  	s1 =	rddreg [dreg:$0x1];
	p0 =	sne.s32 s2, $0x0  }
0x7b: {  	s3 =	rddreg [dreg:$0x2];
	[bflag:$0x3] =	sbarrier.arrive $0xFFFF;
	s2 =	simm.s32 @!p0 $0x1C01  }
0x7c: {  	[timem:s3], [sflag:s2] =	dma.local @!p0 [hbm:s0], s1  }
0x7d: {  	s0 =	simm.s32 @!p0 $0x1  }
0x7e: {  	_ =	swait.ge @!p0 [sflag:s0], s1  }
0x7f: {  	s1 =	ssub.s32 @!p0 $0x0, s1;
	[sflag:s0] =	ssyncset.done @!p0 $0x0  }
0x80: {  	[sflag:s0] =	ssyncadd.s32 @!p0 s1  }
0x81: {  	[bflag:$0x3] =	sbarrier.arrive $0xFFFF  }
0x82: {  	_ =	shalt  }

// kernel: kernel.8.cloned.1.call-start
scs
__scs_entry_jumppad:
0x0: {  	(pc) =	sbr.rel $0x88, $3  }
0x1: {  	(tag) =	ssettag $0x0;
	lr =	simm.s32 $0x1  }
0x2: {  	[smem:$0x3F9C] =	sst lr;
	_ =	strace $0xD0000000  }
0x3: {  	_ = 	snop  }
0x4: {  	_ = 	snop  }
0x5: {  	_ = 	snop  }
0x6: {  	_ = 	snop  }
0x7: {  	_ = 	snop  }
__scs_overlays_trampoline_lowered:
0x8: {  	[smem:$0x3FAB] =	sst s0  }
0x9: {  	[smem:$0x3FAC] =	sst s1  }
0xa: {  	[smem:$0x3FAD] =	sst s2  }
0xb: {  	[smem:$0x3FAE] =	sst s3  }
0xc: {  	[smem:$0x3FAF] =	sst s4  }
0xd: {  	[smem:$0x3FB0] =	sst s5  }
0xe: {  	[smem:$0x3FB1] =	sst s6  }
0xf: {  	[smem:$0x3FB2] =	sst s7  }
0x10: {  	[smem:$0x3FB3] =	sst s8  }
0x11: {  	[smem:$0x3FB4] =	sst s9;
	s0 =	simm.s32 @!p0 $0x0  }
0x12: {  	s1 =	sld [smem:$0x3F9A];
	s0 =	simm.s32 @p0 $0x1  }
0x13: {  	[smem:$0x3FB5] =	sst s0;
	s0 =	simm.s32 @!p1 $0x0  }
0x14: {  	s2 =	sld [smem:$0x3F99];
	s0 =	simm.s32 @p1 $0x1  }
0x15: {  	[smem:$0x3FB6] =	sst s0;
	s0 =	simm.s32 @!p2 $0x0  }
0x16: {  	s3 =	sld [smem:$0x3FDB];
	s0 =	simm.s32 @p2 $0x1  }
0x17: {  	s4 =	simm.s32 $0x1BF5;
	[smem:$0x3FB8] =	sst s0  }
0x18: {  	s0 =	sld [smem:$0x3F9B];
	_ =	swait.ge [sflag:s4], $0x0  }
0x19: {  	s7 =	sld [smem:$0x3F9C]  }
0x1a: {  	s8 =	sadd.s32 $0xFFFFE003, lr  }
0x1b: {  	s9 =	sadd.s32 $0xFFFFFEF7, lr;
	s5 =	simm.s32 $0xFFFFFFFF;
	p2 =	slt.u32 s8, $0xFFFFF086  }
0x1c: {  	p1 =	slt.u32 s9, $0xF7A;
	s5 =	simm.s32 @!p2 $0x0  }
0x1d: {  	s5 =	simm.s32 @p1 $0x1;
	p0 =	seq.s32 s7, s2  }
0x1e: {  	s7 =	smul.u32 @!p0 $0xF7A, s2;
	p2 =	seq.s32 @!p0 s5, $0x0  }
0x1f: {  	s9 =	smul.u32 $0xF7A, s1;
	s8 =	simm.s32 @!p0 $0x1BF5;
	p2 =	por !p2, p0  }
0x20: {  	[sflag:s8] =	ssyncset.s32 @!p0 $0xFFFFF086;
	s6 =	sadd.s32 @!p0 s3, s7;
	s7 =	simm.s32 @!p0 $0x108  }
0x21: {  	s3 =	sadd.s32 s3, s9;
	s6 =	sadd.s32 @!p0 $0x88, s6;
	s7 =	simm.s32 @p2 $0x1082  }
0x22: {  	[simem:s7], [sflag:s8] =	dma.local @!p0 [hbm:s6], $0xF7A  }
0x23: {  	s9 =	sor.u32 $0xD0000000, s2;
	s6 =	simm.s32 $0x108;
	_ =	swait.ge @!p0 [sflag:s8], $0x0  }
0x24: {  	s3 =	sadd.s32 $0x88, s3;
	s6 =	simm.s32 @!p1 $0x1082;
	[sflag:s4] =	ssyncset.s32 $0xFFFFF086  }
0x25: {  	[simem:s6], [sflag:s4] =	dma.local [hbm:s3], $0xF7A  }
0x26: {  	[smem:$0x3F9C] =	sst s1;
	(tag) =	ssettag s2;
	_ =	strace s9  }
0x27: {  	s1 =	sld [smem:$0x3FAC]  }
0x28: {  	s2 =	sld [smem:$0x3FAD]  }
0x29: {  	s4 =	sld [smem:$0x3FAF]  }
0x2a: {  	p0 =	seq.s32 s5, $0x0;
	s5 =	sld [smem:$0x3FB0]  }
0x2b: {  	s6 =	sld [smem:$0x3FB1]  }
0x2c: {  	s7 =	sld [smem:$0x3FB2]  }
0x2d: {  	s3 =	simm.s32 $0x108;
	s8 =	sld [smem:$0x3FB3]  }
0x2e: {  	s3 =	simm.s32 @!p0 $0x1082;
	s9 =	sld [smem:$0x3FB4]  }
0x2f: {  	lr =	sadd.s32 s0, s3;
	s0 =	sld [smem:$0x3FAB]  }
0x30: {  	s3 =	sld [smem:$0x3FAE]  }
0x31: {  	[smem:$0x3FB7] =	sst s10  }
0x32: {  	s10 =	sld [smem:$0x3FB5];
	_ =	sdelay $0x3  }
0x33: {  	p0 =	seq.s32 s10, $0x1;
	s10 =	sld [smem:$0x3FB7];
	_ =	sdelay $0x3  }
0x34: {  	[smem:$0x3FB7] =	sst s10  }
0x35: {  	s10 =	sld [smem:$0x3FB6];
	_ =	sdelay $0x3  }
0x36: {  	p1 =	seq.s32 s10, $0x1;
	s10 =	sld [smem:$0x3FB7];
	_ =	sdelay $0x3  }
0x37: {  	[smem:$0x3FB7] =	sst s10  }
0x38: {  	s10 =	sld [smem:$0x3FB8]  }
0x39: {  	_ = 	snop;
	(pc) =	sbr.ind lr, $3  }
0x3a: {  	_ = 	snop  }
0x3b: {  	_ = 	snop  }
0x3c: {  	p2 =	seq.s32 s10, $0x1;
	s10 =	sld [smem:$0x3FB7]  }
0x3d: {  	_ =	shalt  }
0x3e: {  	_ =	shalt  }
0x3f: {  	_ =	shalt  }
0x40: {  	_ =	shalt  }
0x41: {  	_ =	shalt  }
0x42: {  	_ =	shalt  }
0x43: {  	_ =	shalt  }
0x44: {  	_ =	shalt  }
0x45: {  	_ =	shalt  }
0x46: {  	_ =	shalt  }
0x47: {  	_ =	shalt  }
0x48: {  	_ =	shalt  }
0x49: {  	_ =	shalt  }
0x4a: {  	_ =	shalt  }
0x4b: {  	_ =	shalt  }
0x4c: {  	_ =	shalt  }
0x4d: {  	_ =	shalt  }
0x4e: {  	_ =	shalt  }
0x4f: {  	_ =	shalt  }
0x50: {  	_ =	shalt  }
0x51: {  	_ =	shalt  }
0x52: {  	_ =	shalt  }
0x53: {  	_ =	shalt  }
0x54: {  	_ =	shalt  }
0x55: {  	_ =	shalt  }
0x56: {  	_ =	shalt  }
0x57: {  	_ =	shalt  }
0x58: {  	_ =	shalt  }
0x59: {  	_ =	shalt  }
0x5a: {  	_ =	shalt  }
0x5b: {  	_ =	shalt  }
0x5c: {  	_ =	shalt  }
0x5d: {  	_ =	shalt  }
0x5e: {  	_ =	shalt  }
0x5f: {  	_ =	shalt  }
0x60: {  	_ =	shalt  }
0x61: {  	_ =	shalt  }
0x62: {  	_ =	shalt  }
0x63: {  	_ =	shalt  }
0x64: {  	_ =	shalt  }
0x65: {  	_ =	shalt  }
0x66: {  	_ =	shalt  }
0x67: {  	_ =	shalt  }
0x68: {  	_ =	shalt  }
0x69: {  	_ =	shalt  }
0x6a: {  	_ =	shalt  }
0x6b: {  	_ =	shalt  }
0x6c: {  	_ =	shalt  }
0x6d: {  	_ =	shalt  }
0x6e: {  	_ =	shalt  }
0x6f: {  	_ =	shalt  }
0x70: {  	_ =	shalt  }
0x71: {  	_ =	shalt  }
0x72: {  	_ =	shalt  }
0x73: {  	_ =	shalt  }
0x74: {  	_ =	shalt  }
0x75: {  	_ =	shalt  }
0x76: {  	_ =	shalt  }
0x77: {  	_ =	shalt  }
0x78: {  	_ =	shalt  }
0x79: {  	_ =	shalt  }
0x7a: {  	_ =	shalt  }
0x7b: {  	_ =	shalt  }
0x7c: {  	_ =	shalt  }
0x7d: {  	_ =	shalt  }
0x7e: {  	_ =	shalt  }
0x7f: {  	_ =	shalt  }
0x80: {  	_ =	shalt  }
0x81: {  	_ =	shalt  }
0x82: {  	_ =	shalt  }
0x83: {  	_ =	shalt  }
0x84: {  	_ =	shalt  }
0x85: {  	_ =	shalt  }
0x86: {  	_ =	shalt  }
0x87: {  	_ =	shalt  }
.Lfunc_end0:
.L_simem_size_0:
called_computation.1_lowered:
.L_overlay_start_0:
0x88: {  	s2 =	sld [smem:$0x3FD9]  }
0x89: {  	s3 =	sld [smem:$0x3FFE];
	_ =	sdelay $0x1  }
0x8a: {  	s1 =	srdreg.scid  }
0x8b: {  	s0 =	sand.u32 $0x1, s1  }
0x8c: {  	s17 =	sshll.u32 s0, $0xA;
	s2 =	sadd.s32 s3, s2  }
0x8d: {  	s2 =	sadd.s32 s2, s17  }
0x8e: {  	[smem:$0x3FC3] =	sst s2  }
0x8f: {  	_ = 	snop  }
0x90: {  	s2 =	sld [smem:$0x3FC5]  }
0x91: {  	s18 =	sld [smem:$0x3FD0];
	(tm) =	ssettm $0x1  }
0x92: {  	s4 =	sld [smem:$0x3FFB];
	_ =	sdelay $0x3  }
0x93: {  	_ =	strace s4  }
0x94: {  	s4 =	sld [smem:$0x3FFC];
	_ =	sdelay $0x3  }
0x95: {  	_ =	strace s4  }
0x96: {  	s4 =	sld [smem:$0x3FFD];
	_ =	sdelay $0x3  }
0x97: {  	_ =	strace s4  }
0x98: {  	_ =	strace $0x8FFFFFFF  }
0x99: {  	s19 =	sld [smem:$0x3FDB];
	_ =	sdelay $0x1  }
0x9a: {  	s5 =	simm.s32 $_scs_section_size  }
0x9b: {  	s6 =	simm.s32 $_size__tile_overlayer_lowered;
	s7 =	simm.s32 $_tile_overlayer_lowered  }
0x9c: {  	s22 =	simm.s32 $0x1BFF;
	s21 =	sshll.u32 s7, $0x1;
	s4 =	sadd.s32 s5, s19  }
0x9d: {  	s8 =	simm.s32 $0x0;
	s20 =	sshll.u32 s6, $0x1;
	s6 =	sadd.s32 s21, s4  }
0x9e: {  	[timem:s8], [sflag:s22] =	dma.local [hbm:s6], s20  }
0x9f: {  	_ =	swait.ge [sflag:s22], s20  }
0xa0: {  	s5 =	ssub.s32 $0x0, s20;
	[sflag:s22] =	ssyncset.done $0x0  }
0xa1: {  	[sflag:s22] =	ssyncadd.s32 s5;
	_ =	sdelay $0x1  }
0xa2: {  	s23 =	simm.s32 $0x1B8B  }
0xa3: {  	_ =	swait.ge [sflag:s23], $0x1  }
0xa4: {  	[sflag:s23] =	ssyncset.done $0x0  }
0xa5: {  	s25 =	simm.s32 $0x1B8E;
	s24 =	sld [smem:$0x3FFE];
	[sflag:s23] =	ssyncadd.s32 $0xFFFFFFFF  }
0xa6: {  	s26 =	simm.s32 $execute0_lowered;
	[smem:$0x3FD2] =	sst s25  }
0xa7: {  	s6 =	sshll.u32 s26, $0x1;
	_ =	strace $0x80000049;
	[dreg:$0x1] =	wrdreg $0xFFFFFFFF  }
0xa8: {  	s28 =	simm.s32 $_size_execute0_lowered;
	s4 =	sadd.s32 s4, s6;
	[dreg:$0x0] =	wrdreg $0x0  }
0xa9: {  	s6 =	sshll.u32 s28, $0x1;
	[dreg:$0x2] =	wrdreg s4  }
0xaa: {  	[dreg:$0x3] =	wrdreg s6  }
0xab: {  	[dreg:$0x4] =	wrdreg $0xC0  }
0xac: {  	_ =	task [dreg:s8], $0x5FFFF  }
0xad: {  	[dreg:$0x1] =	wrdreg $0xFFFFFFFF  }
0xae: {  	[dreg:$0x0] =	wrdreg $0x60  }
0xaf: {  	[dreg:$0x2] =	wrdreg s24  }
0xb0: {  	[dreg:$0x3] =	wrdreg s2  }
0xb1: {  	[dreg:$0x4] =	wrdreg s18  }
0xb2: {  	[dreg:$0x5] =	wrdreg $0x9  }
0xb3: {  	_ =	task.clear_ibuf [dreg:s8], $0x6FFFF;
	_ =	strace $0x90000049  }
0xb4: {  	s29 =	simm.s32 $0x9;
	_ =	strace $0x8000004B  }
0xb5: {  	_ =	swait.ge [sflag:s29], $0x1  }
0xb6: {  	[sflag:s29] =	ssyncadd.s32 $0xFFFFFFFF  }
0xb7: {  	_ =	strace $0x9000004B  }
0xb8: {  	_ =	sfence  }
0xb9: {  	s30 =	sld [smem:$0x0];
	_ =	sdelay $0x2  }
0xba: {  	s31 =	sshll.u32 s1, $0xD;
	s1 =	sshrl.u32 s1, $0x2  }
0xbb: {  	s3 =	sand.u32 $0x4000, s31;
	s1 =	sadd.s32 s1, s30  }
0xbc: {  	s0 =	sor.u32 s3, s0;
	s1 =	sshll.u32 s1, $0x11  }
0xbd: {  	s0 =	sor.u32 s1, s0  }
0xbe: {  	s0 =	sadd.s32 $0x8F2B, s0  }
0xbf: {  	[sflag:s0] =	ssyncadd.remote.s32 $0x1  }
0xc0: {  	_ =	sfence.sel $0xFFFF  }
0xc1: {  	[dreg:$0x0] =	wrdreg $0xFFFFFFFF;
	(pc) =	sbr.abs _section_cstart, $3  }
0xc2: {  	[dreg:$0x1] =	wrdreg $0xFFFFFFFF  }
0xc3: {  	_ =	task.clear_ibuf [dreg:s8], $0x2FFFF;
	_ =	strace $0x9FFFFFFF  }
0xc4: {  	(tm) =	ssettm $0x7FFFFFFF  }
0xc5: {  	_ =	shalt  }
tec
execute0_lowered:
.L_overlay_start_1:
0x0: {  	(tag) =	ssettag $0x1  }
0x1: {  	s5 =	rddreg [dreg:$0x0]  }
0x2: {  	s1 =	rddreg [dreg:$0x1]  }
0x3: {  	s2 =	rddreg [dreg:$0x2]  }
0x4: {  	s0 =	rddreg [dreg:$0x3]  }
0x5: {  	s3 =	simm.s32 $0x0;
	s4 =	srdreg.scid;
	s12 =	simm.s32 $0x5E80  }
0x6: {  	s13 =	simm.s32 $0x1;
	s14 =	simm.s32 $0x6E80;
	s15 =	simm.s32 $0x1F80  }
0x7: {  	s16 =	simm.s32 $0x7E80;
	s17 =	simm.s32 $0x3F00;
	s18 =	simm.s32 $0x0  }
0x8: {  	[smem:$0x7FF] =	sst s3;
	s4 =	sand.u32 $0x1, s4;
	s6 =	sadd.s32 $0x400, s5  }
0x9: {  	s7 =	sadd.s32 $0x3D600, s5;
	s8 =	sadd.s32 $0x3D800, s5;
	s9 =	ssub.s32 $0x2, s4  }
0xa: {  	s5 =	stileid.u32;
	_ =	strace $0x8000004A;
	s10 =	sshrl.u32 s9, $0x1  }
0xb: {  	p0 =	slt.u32 s5, $0xD;
	s11 =	ssub.s32 s9, s10;
	s10 =	simm.s32 $0x8  }
0xc: {  	s9 =	sshll.u32 s5, $0x1;
	s10 =	simm.s32 @!p0 $0x7;
	s11 =	smax.u32 s11, $0x1  }
.LBB2_1:
0xd: {  	[tilespmem:s12], [sflag:$0x1] =	stream.linear.gather [hbm4b:s7+s3], $0x1000, $0x38;
	[tilespmem:$0x7F00] =	vst v63  }
0xe: {  	_ =	swait.ge [sflag:s13], $0x1000  }
0xf: {  	[sflag:s13] =	ssyncset.done $0x0  }
0x10: {  	[sflag:s13] =	ssyncadd.s32 $0xFFFFF000  }
0x11: {  	[tilespmem:s14], [sflag:$0x1] =	stream.linear.gather [hbm4b:s8+s3], $0x1000, $0x38;
	[tilespmem:$0x7F00] =	vst v63  }
0x12: {  	_ =	swait.ge [sflag:s13], $0x1000  }
0x13: {  	[sflag:s13] =	ssyncset.done $0x0  }
0x14: {  	[sflag:s13] =	ssyncadd.s32 $0xFFFFF000  }
0x15: {  	v0 =	vld [tilespmem:$0x5E80]  }
0x16: {  	v1 =	vld [tilespmem:$0x5E90]  }
0x17: {  	v2 =	vld [tilespmem:$0x6E80]  }
0x18: {  	v3 =	vld [tilespmem:$0x6E90]  }
0x19: {  	v4 =	vld [tilespmem:$0x5F00]  }
0x1a: {  	v5 =	vld [tilespmem:$0x5F10]  }
0x1b: {  	v6 =	vld [tilespmem:$0x6F00]  }
0x1c: {  	v7 =	vld [tilespmem:$0x6F10]  }
0x1d: {  	v8 =	vld [tilespmem:$0x5F80]  }
0x1e: {  	v9 =	vld [tilespmem:$0x5F90]  }
0x1f: {  	v10 =	vld [tilespmem:$0x6F80]  }
0x20: {  	v11 =	vld [tilespmem:$0x6F90]  }
0x21: {  	v12 =	vld [tilespmem:$0x6000]  }
0x22: {  	v13 =	vld [tilespmem:$0x6010]  }
0x23: {  	v14 =	vld [tilespmem:$0x7000]  }
0x24: {  	v15 =	vld [tilespmem:$0x7010]  }
0x25: {  	v16 =	vld [tilespmem:$0x6080]  }
0x26: {  	v17 =	vld [tilespmem:$0x6090]  }
0x27: {  	v18 =	vld [tilespmem:$0x7080]  }
0x28: {  	v19 =	vld [tilespmem:$0x7090]  }
0x29: {  	v20 =	vld [tilespmem:$0x6100]  }
0x2a: {  	v21 =	vld [tilespmem:$0x6110]  }
0x2b: {  	v22 =	vld [tilespmem:$0x7100]  }
0x2c: {  	v23 =	vld [tilespmem:$0x7110]  }
0x2d: {  	v24 =	vld [tilespmem:$0x6180]  }
0x2e: {  	v25 =	vld [tilespmem:$0x6190]  }
0x2f: {  	v26 =	vld [tilespmem:$0x7180]  }
0x30: {  	v27 =	vld [tilespmem:$0x7190]  }
0x31: {  	v28 =	vld [tilespmem:$0x6200]  }
0x32: {  	v29 =	vld [tilespmem:$0x6210]  }
0x33: {  	v30 =	vld [tilespmem:$0x7200]  }
0x34: {  	v31 =	vld [tilespmem:$0x7210]  }
0x35: {  	v32 =	vld [tilespmem:$0x6280]  }
0x36: {  	v33 =	vld [tilespmem:$0x6290]  }
0x37: {  	v34 =	vld [tilespmem:$0x7280]  }
0x38: {  	v35 =	vld [tilespmem:$0x7290]  }
0x39: {  	v36 =	vld [tilespmem:$0x6300]  }
0x3a: {  	v37 =	vld [tilespmem:$0x6310]  }
0x3b: {  	v38 =	vld [tilespmem:$0x7300]  }
0x3c: {  	v39 =	vld [tilespmem:$0x7310]  }
0x3d: {  	v40 =	vld [tilespmem:$0x6380]  }
0x3e: {  	v41 =	vld [tilespmem:$0x6390]  }
0x3f: {  	v42 =	vld [tilespmem:$0x7380]  }
0x40: {  	v43 =	vld [tilespmem:$0x7390]  }
0x41: {  	v44 =	vld [tilespmem:$0x6400]  }
0x42: {  	v45 =	vld [tilespmem:$0x6410]  }
0x43: {  	v46 =	vld [tilespmem:$0x7400]  }
0x44: {  	v47 =	vld [tilespmem:$0x7410]  }
0x45: {  	v48 =	vld [tilespmem:$0x6480]  }
0x46: {  	v49 =	vld [tilespmem:$0x6490]  }
0x47: {  	v50 =	vld [tilespmem:$0x7480]  }
0x48: {  	v51 =	vld [tilespmem:$0x7490]  }
0x49: {  	v52 =	vld [tilespmem:$0x6500]  }
0x4a: {  	v53 =	vld [tilespmem:$0x6510]  }
0x4b: {  	v54 =	vld [tilespmem:$0x7500]  }
0x4c: {  	v55 =	vld [tilespmem:$0x7510]  }
0x4d: {  	v56 =	vld [tilespmem:$0x6580]  }
0x4e: {  	v57 =	vld [tilespmem:$0x6590];
	v2 =	vadd.f32 $0.0e+00, v2  }
0x4f: {  	v58 =	vld [tilespmem:$0x7580];
	v3 =	vadd.f32 $0.0e+00, v3  }
0x50: {  	v59 =	vld [tilespmem:$0x7610];
	v2 =	vadd.f32 v6, v2  }
0x51: {  	v60 =	vld [tilespmem:$0x7680];
	v3 =	vadd.f32 v7, v3  }
0x52: {  	v61 =	vld [tilespmem:$0x7690];
	v2 =	vadd.f32 v10, v2  }
0x53: {  	v62 =	vld [tilespmem:$0x7700];
	v3 =	vadd.f32 v11, v3  }
0x54: {  	v63 =	vld [tilespmem:$0x7710];
	v2 =	vadd.f32 v14, v2  }
0x55: {  	v1 =	vadd.f32 $0.0e+00, v1;
	v6 =	vld [tilespmem:$0x7590];
	v3 =	vadd.f32 v15, v3  }
0x56: {  	v0 =	vadd.f32 $0.0e+00, v0;
	v7 =	vld [tilespmem:$0x6600];
	v2 =	vadd.f32 v18, v2  }
0x57: {  	v1 =	vadd.f32 v5, v1;
	v5 =	vld [tilespmem:$0x6780];
	v3 =	vadd.f32 v19, v3  }
0x58: {  	v0 =	vadd.f32 v4, v0;
	v10 =	vld [tilespmem:$0x6610];
	v2 =	vadd.f32 v22, v2  }
0x59: {  	v11 =	vld [tilespmem:$0x7600];
	v1 =	vadd.f32 v9, v1;
	v3 =	vadd.f32 v23, v3  }
0x5a: {  	v0 =	vadd.f32 v8, v0;
	v8 =	vld [tilespmem:$0x6790];
	v2 =	vadd.f32 v26, v2  }
0x5b: {  	v15 =	vld [tilespmem:$0x6680];
	v1 =	vadd.f32 v13, v1;
	v3 =	vadd.f32 v27, v3  }
0x5c: {  	v0 =	vadd.f32 v12, v0;
	v13 =	vld [tilespmem:$0x6800];
	v2 =	vadd.f32 v30, v2  }
0x5d: {  	v18 =	vld [tilespmem:$0x6690];
	v1 =	vadd.f32 v17, v1;
	v3 =	vadd.f32 v31, v3  }
0x5e: {  	v0 =	vadd.f32 v16, v0;
	v16 =	vld [tilespmem:$0x6810];
	v2 =	vadd.f32 v34, v2  }
0x5f: {  	v23 =	vld [tilespmem:$0x6700];
	v1 =	vadd.f32 v21, v1;
	v3 =	vadd.f32 v35, v3  }
0x60: {  	v0 =	vadd.f32 v20, v0;
	v21 =	vld [tilespmem:$0x6880];
	v2 =	vadd.f32 v38, v2  }
0x61: {  	v26 =	vld [tilespmem:$0x6710];
	v1 =	vadd.f32 v25, v1;
	v3 =	vadd.f32 v39, v3  }
0x62: {  	v0 =	vadd.f32 v24, v0;
	v24 =	vld [tilespmem:$0x6890];
	v2 =	vadd.f32 v42, v2  }
0x63: {  	v1 =	vadd.f32 v29, v1;
	v29 =	vld [tilespmem:$0x6900];
	v3 =	vadd.f32 v43, v3  }
0x64: {  	v30 =	vld [tilespmem:$0x6910];
	v2 =	vadd.f32 v46, v2  }
0x65: {  	v0 =	vadd.f32 v28, v0;
	v34 =	vld [tilespmem:$0x7780];
	v3 =	vadd.f32 v47, v3  }
0x66: {  	v35 =	vld [tilespmem:$0x7790];
	v2 =	vadd.f32 v50, v2  }
0x67: {  	v0 =	vadd.f32 v32, v0;
	v32 =	vld [tilespmem:$0x7A80];
	v3 =	vadd.f32 v51, v3  }
0x68: {  	v1 =	vadd.f32 v33, v1;
	v33 =	vld [tilespmem:$0x7A90];
	v2 =	vadd.f32 v54, v2  }
0x69: {  	v38 =	vld [tilespmem:$0x7800];
	v3 =	vadd.f32 v55, v3  }
0x6a: {  	v39 =	vld [tilespmem:$0x7810];
	v2 =	vadd.f32 v58, v2  }
0x6b: {  	v0 =	vadd.f32 v36, v0;
	v36 =	vld [tilespmem:$0x7B00];
	v3 =	vadd.f32 v6, v3  }
0x6c: {  	v1 =	vadd.f32 v37, v1;
	v37 =	vld [tilespmem:$0x7B10];
	v2 =	vadd.f32 v11, v2  }
0x6d: {  	v42 =	vld [tilespmem:$0x7880];
	v3 =	vadd.f32 v59, v3  }
0x6e: {  	v43 =	vld [tilespmem:$0x7890];
	v0 =	vadd.f32 v40, v0;
	v2 =	vadd.f32 v60, v2  }
0x6f: {  	v1 =	vadd.f32 v41, v1;
	v40 =	vld [tilespmem:$0x7C00];
	v3 =	vadd.f32 v61, v3  }
0x70: {  	v41 =	vld [tilespmem:$0x7C10];
	v0 =	vadd.f32 v44, v0;
	v2 =	vadd.f32 v62, v2  }
0x71: {  	v46 =	vld [tilespmem:$0x7900];
	v1 =	vadd.f32 v45, v1;
	v3 =	vadd.f32 v63, v3  }
0x72: {  	v47 =	vld [tilespmem:$0x7910];
	v0 =	vadd.f32 v48, v0;
	v2 =	vadd.f32 v34, v2  }
0x73: {  	v44 =	vld [tilespmem:$0x7D00];
	v1 =	vadd.f32 v49, v1;
	v3 =	vadd.f32 v35, v3  }
0x74: {  	v45 =	vld [tilespmem:$0x7D10];
	v0 =	vadd.f32 v52, v0;
	v2 =	vadd.f32 v38, v2  }
0x75: {  	v54 =	vld [tilespmem:$0x7980];
	v1 =	vadd.f32 v53, v1;
	v3 =	vadd.f32 v39, v3  }
0x76: {  	v55 =	vld [tilespmem:$0x7990];
	v0 =	vadd.f32 v56, v0;
	v2 =	vadd.f32 v42, v2  }
0x77: {  	v1 =	vadd.f32 v57, v1;
	v60 =	vld [tilespmem:$0x7A00];
	v3 =	vadd.f32 v43, v3  }
0x78: {  	v0 =	vadd.f32 v7, v0;
	v61 =	vld [tilespmem:$0x7A10];
	v2 =	vadd.f32 v46, v2  }
0x79: {  	v50 =	vld [tilespmem:$0x6980];
	v1 =	vadd.f32 v10, v1;
	v3 =	vadd.f32 v47, v3  }
0x7a: {  	v51 =	vld [tilespmem:$0x6990];
	v0 =	vadd.f32 v15, v0;
	v2 =	vadd.f32 v54, v2  }
0x7b: {  	v48 =	vld [tilespmem:$0x7E00];
	v1 =	vadd.f32 v18, v1;
	v3 =	vadd.f32 v55, v3  }
0x7c: {  	v49 =	vld [tilespmem:$0x7E10];
	v0 =	vadd.f32 v23, v0;
	v2 =	vadd.f32 v60, v2  }
0x7d: {  	v1 =	vadd.f32 v26, v1;
	v38 =	vld [tilespmem:$0x7B80];
	v3 =	vadd.f32 v61, v3  }
0x7e: {  	v0 =	vadd.f32 v5, v0;
	v39 =	vld [tilespmem:$0x7B90];
	v2 =	vadd.f32 v32, v2  }
0x7f: {  	v58 =	vld [tilespmem:$0x6A00];
	v1 =	vadd.f32 v8, v1;
	v3 =	vadd.f32 v33, v3  }
0x80: {  	v59 =	vld [tilespmem:$0x6A10];
	v0 =	vadd.f32 v13, v0;
	v2 =	vadd.f32 v36, v2  }
0x81: {  	v1 =	vadd.f32 v16, v1;
	v42 =	vld [tilespmem:$0x7C80];
	v3 =	vadd.f32 v37, v3  }
0x82: {  	v0 =	vadd.f32 v21, v0;
	v43 =	vld [tilespmem:$0x7C90];
	v2 =	vadd.f32 v38, v2  }
0x83: {  	v62 =	vld [tilespmem:$0x6A80];
	v1 =	vadd.f32 v24, v1;
	v3 =	vadd.f32 v39, v3  }
0x84: {  	v63 =	vld [tilespmem:$0x6A90];
	v0 =	vadd.f32 v29, v0;
	v2 =	vadd.f32 v40, v2  }
0x85: {  	v1 =	vadd.f32 v30, v1;
	v46 =	vld [tilespmem:$0x7D80];
	v3 =	vadd.f32 v41, v3  }
0x86: {  	v47 =	vld [tilespmem:$0x7D90];
	v0 =	vadd.f32 v50, v0;
	v2 =	vadd.f32 v42, v2  }
0x87: {  	v34 =	vld [tilespmem:$0x6B00];
	v1 =	vadd.f32 v51, v1;
	v3 =	vadd.f32 v43, v3  }
0x88: {  	v35 =	vld [tilespmem:$0x6B10];
	v0 =	vadd.f32 v58, v0;
	v2 =	vadd.f32 v44, v2  }
0x89: {  	v50 =	vld [tilespmem:$0x6B80];
	v1 =	vadd.f32 v59, v1;
	v3 =	vadd.f32 v45, v3  }
0x8a: {  	v51 =	vld [tilespmem:$0x6B90];
	v0 =	vadd.f32 v62, v0;
	v2 =	vadd.f32 v46, v2  }
0x8b: {  	v52 =	vld [tilespmem:$0x6C00];
	v1 =	vadd.f32 v63, v1;
	v3 =	vadd.f32 v47, v3  }
0x8c: {  	v53 =	vld [tilespmem:$0x6C10];
	v0 =	vadd.f32 v34, v0;
	v2 =	vadd.f32 v48, v2  }
0x8d: {  	v54 =	vld [tilespmem:$0x6C80];
	v1 =	vadd.f32 v35, v1;
	v3 =	vadd.f32 v49, v3  }
0x8e: {  	v55 =	vld [tilespmem:$0x6C90];
	v0 =	vadd.f32 v50, v0;
	v2 =	vadd.f32 $9.999999970e-07, v2  }
0x8f: {  	v56 =	vld [tilespmem:$0x6D00];
	v1 =	vadd.f32 v51, v1;
	v3 =	vadd.f32 $9.999999970e-07, v3  }
0x90: {  	v57 =	vld [tilespmem:$0x6D10];
	v0 =	vadd.f32 v52, v0;
	(erf) = vrcp.f32 v2  }
0x91: {  	v58 =	vld [tilespmem:$0x6D80];
	v1 =	vadd.f32 v53, v1;
	(erf) = vrcp.f32 v3  }
0x92: {  	v59 =	vld [tilespmem:$0x6D90];
	v0 =	vadd.f32 v54, v0  }
0x93: {  	v60 =	vld [tilespmem:$0x6E00];
	v1 =	vadd.f32 v55, v1  }
0x94: {  	v61 =	vld [tilespmem:$0x6E10];
	v0 =	vadd.f32 v56, v0  }
0x95: {  	v1 =	vadd.f32 v57, v1  }
0x96: {  	v0 =	vadd.f32 v58, v0  }
0x97: {  	v1 =	vadd.f32 v59, v1  }
0x98: {  	v0 =	vadd.f32 v60, v0  }
0x99: {  	v1 =	vadd.f32 v61, v1;
	v62 =	vpop (erf)  }
0x9a: {  	v0 =	vmul.f32 v62, v0;
	v63 =	vpop (erf)  }
0x9b: {  	v1 =	vmul.f32 v63, v1  }
0x9c: {  	[tilespmem:$0x7E80] =	vst v0  }
0x9d: {  	s19 =	simm.s32 $0x0;
	[tilespmem:$0x7E90] =	vst v1  }
.LBB2_2:
0x9e: {  	s20 =	sshll.u32 s19, $0x5  }
0x9f: {  	s20 =	sor.u32 s20, s9  }
0xa0: {  	s20 =	sor.u32 s4, s20  }
0xa1: {  	s20 =	smul.u32 $0x1F40, s20;
	_ =	sdelay $0x1  }
0xa2: {  	s20 =	sshrl.u32 s20, $0x3  }
0xa3: {  	s21 =	sadd.s32 s6, s20  }
0xa4: {  	[tilespmem:s3], [sflag:$0x1] =	stream.linear.gather [hbm4b:s21+s3], $0x1F40, $0x38;
	[tilespmem:$0x7F00] =	vst v63  }
0xa5: {  	_ =	swait.ge [sflag:s13], $0x1F40  }
0xa6: {  	[sflag:s13] =	ssyncset.done $0x0  }
0xa7: {  	s29 =	sadd.s32 s1, s20;
	[sflag:s13] =	ssyncadd.s32 $0xFFFFE0C0  }
0xa8: {  	[tilespmem:s15], [sflag:$0x1] =	stream.linear.gather [hbm4b:s29+s3], $0x1F40, $0x38;
	[tilespmem:$0x7F00] =	vst v63  }
0xa9: {  	_ =	swait.ge [sflag:s13], $0x1F40  }
0xaa: {  	[sflag:s13] =	ssyncset.done $0x0  }
0xab: {  	s30 =	simm.s32 $0x1FC0;
	[sflag:s13] =	ssyncadd.s32 $0xFFFFE0C0  }
0xac: {  	v0 =	vld [tilespmem:s30+$0x30]  }
0xad: {  	v1 =	vld [tilespmem:s30+$0xFFFFFFD0]  }
0xae: {  	v2 =	vld [tilespmem:s30+$0xFFFFFFE0]  }
0xaf: {  	v3 =	vld [tilespmem:s30+$0xFFFFFFF0]  }
0xb0: {  	v4 =	vld [tilespmem:s30+$0x0]  }
0xb1: {  	v5 =	vld [tilespmem:s30+$0x10]  }
0xb2: {  	v6 =	vld [tilespmem:s30+$0x20]  }
0xb3: {  	v7 =	vld [tilespmem:s30+$0xFFFFFFC0]  }
0xb4: {  	v0 =	vld.idx.msk [tilespmem:v0+s16+$0x0], $0xffff  }
0xb5: {  	v1 =	vld.idx.msk [tilespmem:v1+s16+$0x0], $0xffff  }
0xb6: {  	v2 =	vld.idx.msk [tilespmem:v2+s16+$0x0], $0xffff  }
0xb7: {  	v3 =	vld.idx.msk [tilespmem:v3+s16+$0x0], $0xffff  }
0xb8: {  	v4 =	vld.idx.msk [tilespmem:v4+s16+$0x0], $0xffff  }
0xb9: {  	v5 =	vld.idx.msk [tilespmem:v5+s16+$0x0], $0xffff  }
0xba: {  	v6 =	vld.idx.msk [tilespmem:v6+s16+$0x0], $0xffff  }
0xbb: {  	v7 =	vld.idx.msk [tilespmem:v7+s16+$0x0], $0xffff;
	v0 =	vmul.f32 $1.442695020e+00, v0  }
0xbc: {  	s31 =	simm.s32 $0x40;
	v1 =	vmul.f32 $1.442695020e+00, v1;
	v2 =	vmul.f32 $1.442695020e+00, v2  }
0xbd: {  	v8 =	vld [tilespmem:s31+$0x30];
	(erf) = vpow2.f32 v0;
	v0 =	vmul.f32 $1.442695020e+00, v3  }
0xbe: {  	s22 =	simm.s32 $0x2040;
	v9 =	vld [tilespmem:s31+$0xFFFFFFC0];
	(erf) = vpow2.f32 v1;
	v1 =	vmul.f32 $1.442695020e+00, v4  }
0xbf: {  	v11 =	vld [tilespmem:s22+$0xFFFFFFC0];
	v4 =	vmul.f32 $1.442695020e+00, v5;
	v5 =	vmul.f32 $1.442695020e+00, v6  }
0xc0: {  	v6 =	vmul.f32 $1.442695020e+00, v7;
	v7 =	vld [tilespmem:s22+$0x20];
	(erf) = vpow2.f32 v2  }
0xc1: {  	v2 =	vld [tilespmem:s22+$0x30];
	(erf) = vpow2.f32 v0  }
0xc2: {  	v0 =	vld [tilespmem:s22+$0xFFFFFFD0];
	(erf) = vpow2.f32 v1  }
0xc3: {  	v1 =	vld [tilespmem:s22+$0xFFFFFFE0];
	(erf) = vpow2.f32 v4  }
0xc4: {  	v4 =	vld [tilespmem:s22+$0xFFFFFFF0];
	(erf) = vpow2.f32 v5  }
0xc5: {  	v5 =	vld [tilespmem:s22+$0x0];
	(erf) = vpow2.f32 v6  }
0xc6: {  	v6 =	vld [tilespmem:s22+$0x10]  }
0xc7: {  	v3 =	vld [tilespmem:s31+$0xFFFFFFD0];
	v10 =	vpop (erf)  }
0xc8: {  	v59 =	vld.idx.msk [tilespmem:v7+s16+$0x0], $0xffff;
	v12 =	vpop (erf)  }
0xc9: {  	v13 =	vld.idx.msk [tilespmem:v2+s16+$0x0], $0xffff;
	v14 =	vpop (erf)  }
0xca: {  	v15 =	vld.idx.msk [tilespmem:v0+s16+$0x0], $0xffff;
	v16 =	vpop (erf)  }
0xcb: {  	v17 =	vld.idx.msk [tilespmem:v1+s16+$0x0], $0xffff;
	v1 =	vpop (erf)  }
0xcc: {  	v4 =	vld.idx.msk [tilespmem:v4+s16+$0x0], $0xffff;
	v2 =	vpop (erf)  }
0xcd: {  	v8 =	vmul.f32 v10, v8;
	v5 =	vld.idx.msk [tilespmem:v5+s16+$0x0], $0xffff;
	v0 =	vpop (erf)  }
0xce: {  	v3 =	vmul.f32 v12, v3;
	v6 =	vld.idx.msk [tilespmem:v6+s16+$0x0], $0xffff;
	v7 =	vmul.f32 $1.442695020e+00, v13;
	v10 =	vpop (erf)  }
0xcf: {  	v10 =	vmul.f32 v10, v9;
	v9 =	vld.idx.msk [tilespmem:v11+s16+$0x0], $0xffff;
	v11 =	vmul.f32 $1.442695020e+00, v15  }
0xd0: {  	v61 =	vld [tilespmem:s31+$0xFFFFFFE0];
	v60 =	vmul.f32 $1.442695020e+00, v17;
	(erf) = vpow2.f32 v7  }
0xd1: {  	v7 =	vld [tilespmem:s31+$0x10];
	v4 =	vmul.f32 $1.442695020e+00, v4;
	(erf) = vpow2.f32 v11  }
0xd2: {  	v11 =	vld [tilespmem:s31+$0xFFFFFFF0];
	v62 =	vmul.f32 $1.442695020e+00, v5;
	(erf) = vpow2.f32 v60  }
0xd3: {  	v5 =	vld [tilespmem:s31+$0x0];
	v6 =	vmul.f32 $1.442695020e+00, v6;
	(erf) = vpow2.f32 v4  }
0xd4: {  	s21 =	simm.s32 $0xC0;
	s22 =	simm.s32 $0x3F40;
	v12 =	vmul.f32 $1.442695020e+00, v59;
	v4 =	vld [tilespmem:s31+$0x20];
	(erf) = vpow2.f32 v62  }
0xd5: {  	[tilespmem:s22+$0x30] =	vst v8;
	v8 =	vld [tilespmem:s21+$0x30];
	v63 =	vmul.f32 $1.442695020e+00, v9;
	(erf) = vpow2.f32 v6  }
0xd6: {  	[tilespmem:s22+$0xFFFFFFD0] =	vst v3;
	v3 =	vld [tilespmem:s21+$0xFFFFFFC0];
	v9 =	vmul.f32 v14, v61;
	(erf) = vpow2.f32 v12  }
0xd7: {  	s24 =	simm.s32 $0x8;
	s25 =	simm.s32 $0x20C0;
	s23 =	simm.s32 $0x3F40;
	[tilespmem:s22+$0xFFFFFFC0] =	vst v10;
	v6 =	vld [tilespmem:s21+$0xFFFFFFD0];
	v10 =	vmul.f32 v16, v11;
	(erf) = vpow2.f32 v63  }
.LBB2_3:
0xd8: {  	v11 =	vld [tilespmem:s25+$0x30];
	s24 =	sadd.s32 $0x8, s24;
	[tilespmem:s22+$0xFFFFFFE0] =	vst v9;
	v1 =	vmul.f32 v1, v5;
	v2 =	vmul.f32 v2, v7  }
0xd9: {  	v5 =	vld [tilespmem:s25+$0xFFFFFFD0];
	p0 =	slt.u32 s24, $0x1E8;
	v7 =	vpop (erf);
	[tilespmem:s22+$0xFFFFFFF0] =	vst v10;
	v0 =	vmul.f32 v0, v4  }
0xda: {  	v4 =	vld [tilespmem:s25+$0xFFFFFFE0];
	v7 =	vmul.f32 v7, v8;
	v8 =	vpop (erf);
	[tilespmem:s22+$0x0] =	vst v1  }
0xdb: {  	s22 =	sadd.s32 $0x80, s22;
	v9 =	vld [tilespmem:s25+$0xFFFFFFF0];
	v10 =	vpop (erf);
	[tilespmem:s23+$0x10] =	vst v2  }
0xdc: {  	v12 =	vld [tilespmem:s25+$0x0];
	v8 =	vmul.f32 v8, v6;
	[tilespmem:s22+$0x30] =	vst v7;
	v13 =	vpop (erf)  }
0xdd: {  	v6 =	vld [tilespmem:s25+$0x10];
	v1 =	vpop (erf);
	[tilespmem:s23+$0x20] =	vst v0;
	s23 =	smov.u32 s22  }
0xde: {  	v7 =	vld [tilespmem:s25+$0x20];
	[tilespmem:s22+$0xFFFFFFD0] =	vst v8;
	v2 =	vpop (erf)  }
0xdf: {  	v8 =	vld [tilespmem:s25+$0xFFFFFFC0];
	v0 =	vpop (erf)  }
0xe0: {  	v11 =	vld.idx.msk [tilespmem:v11+s16+$0x0], $0xffff;
	v14 =	vpop (erf)  }
0xe1: {  	v5 =	vld.idx.msk [tilespmem:v5+s16+$0x0], $0xffff;
	v3 =	vmul.f32 v14, v3  }
0xe2: {  	v4 =	vld.idx.msk [tilespmem:v4+s16+$0x0], $0xffff  }
0xe3: {  	v9 =	vld.idx.msk [tilespmem:v9+s16+$0x0], $0xffff;
	[tilespmem:s22+$0xFFFFFFC0] =	vst v3  }
0xe4: {  	v3 =	vld.idx.msk [tilespmem:v12+s16+$0x0], $0xffff  }
0xe5: {  	v6 =	vld.idx.msk [tilespmem:v6+s16+$0x0], $0xffff  }
0xe6: {  	v12 =	vld.idx.msk [tilespmem:v7+s16+$0x0], $0xffff;
	v7 =	vmul.f32 $1.442695020e+00, v11  }
0xe7: {  	v5 =	vmul.f32 $1.442695020e+00, v5;
	v8 =	vld.idx.msk [tilespmem:v8+s16+$0x0], $0xffff  }
0xe8: {  	v4 =	vmul.f32 $1.442695020e+00, v4;
	(erf) = vpow2.f32 v7;
	v11 =	vld [tilespmem:s21+$0xFFFFFFE0]  }
0xe9: {  	v7 =	vmul.f32 $1.442695020e+00, v9;
	(erf) = vpow2.f32 v5;
	v14 =	vld [tilespmem:s21+$0xFFFFFFF0]  }
0xea: {  	v3 =	vmul.f32 $1.442695020e+00, v3;
	(erf) = vpow2.f32 v4;
	v5 =	vld [tilespmem:s21+$0x0]  }
.Ltmp0:
0xeb: {  	v6 =	vmul.f32 $1.442695020e+00, v6;
	(erf) = vpow2.f32 v7;
	v7 =	vld [tilespmem:s21+$0x10];
	(pc) =	sbr.rel @p0 .LBB2_3-.Ltmp0, $4  }
0xec: {  	v9 =	vmul.f32 $1.442695020e+00, v12;
	(erf) = vpow2.f32 v3;
	v4 =	vld [tilespmem:s21+$0x20];
	s21 =	sadd.s32 $0x80, s21  }
0xed: {  	v12 =	vmul.f32 $1.442695020e+00, v8;
	v8 =	vld [tilespmem:s21+$0x30];
	(erf) = vpow2.f32 v6  }
0xee: {  	v3 =	vld [tilespmem:s21+$0xFFFFFFC0];
	(erf) = vpow2.f32 v9;
	v9 =	vmul.f32 v10, v11  }
0xef: {  	s25 =	sadd.s32 $0x80, s25;
	v10 =	vmul.f32 v13, v14;
	v6 =	vld [tilespmem:s21+$0xFFFFFFD0];
	(erf) = vpow2.f32 v12  }
0xf0: {  	[tilespmem:s22+$0xFFFFFFE0] =	vst v9;
	v1 =	vmul.f32 v1, v5;
	v52 =	vld [tilespmem:s21+$0xFFFFFFE0]  }
0xf1: {  	v2 =	vmul.f32 v2, v7;
	v54 =	vld [tilespmem:s21+$0xFFFFFFF0];
	[tilespmem:s22+$0xFFFFFFF0] =	vst v10  }
0xf2: {  	v56 =	vld [tilespmem:s21+$0x0];
	v11 =	vpop (erf);
	v0 =	vmul.f32 v0, v4;
	[tilespmem:s22+$0x0] =	vst v1  }
0xf3: {  	v58 =	vld [tilespmem:s21+$0x10];
	v12 =	vpop (erf);
	v8 =	vmul.f32 v11, v8;
	[tilespmem:s23+$0x10] =	vst v2  }
0xf4: {  	s31 =	sadd.s32 $0x80, s22;
	v60 =	vld [tilespmem:s21+$0x20];
	v13 =	vpop (erf);
	[tilespmem:s23+$0x20] =	vst v0;
	v6 =	vmul.f32 v12, v6  }
0xf5: {  	v50 =	vpop (erf);
	[tilespmem:s31+$0x30] =	vst v8;
	v61 =	vmul.f32 v13, v52  }
0xf6: {  	v51 =	vpop (erf);
	v62 =	vmul.f32 v50, v54;
	[tilespmem:s31+$0xFFFFFFD0] =	vst v6  }
0xf7: {  	v53 =	vpop (erf);
	v4 =	vmul.f32 v51, v56;
	[tilespmem:s31+$0xFFFFFFE0] =	vst v61  }
0xf8: {  	v55 =	vpop (erf);
	v1 =	vmul.f32 v53, v58;
	[tilespmem:s31+$0xFFFFFFF0] =	vst v62  }
0xf9: {  	v57 =	vpop (erf);
	v63 =	vmul.f32 v55, v60;
	[tilespmem:s31+$0x0] =	vst v4  }
0xfa: {  	v59 =	vmul.f32 v57, v3;
	[tilespmem:s31+$0x10] =	vst v1  }
0xfb: {  	[tilespmem:s31+$0x20] =	vst v63  }
0xfc: {  	s21 =	simm.s32 $0x0;
	[tilespmem:s31+$0xFFFFFFC0] =	vst v59  }
.LBB2_5:
0xfd: {  	s22 =	sshra.s32 s21, $0x2  }
0xfe: {  	v0 =	vld [tilespmem:s22+$0x3E80];
	_ =	sdelay $0x7  }
0xff: {  	v0 =	vld.idx.msk [tilespmem:v0+s16+$0x0], $0xffff;
	_ =	sdelay $0x4  }
0x100: {  	v0 =	vmul.f32 $1.442695020e+00, v0;
	_ =	sdelay $0x1  }
0x101: {  	(erf) = vpow2.f32 v0;
	_ =	sdelay $0x4  }
0x102: {  	v63 =	vld [tilespmem:s22+$0x1F00];
	_ =	sdelay $0x1  }
0x103: {  	p0 =	sne.s32 s21, $0xC0  }
.Ltmp1:
0x104: {  	_ = 	snop;
	(pc) =	sbr.rel @p0 .LBB2_5-.Ltmp1, $3  }
0x105: {  	v1 =	vpop (erf)  }
0x106: {  	v0 =	vmul.f32 v1, v63;
	_ =	sdelay $0x1  }
0x107: {  	s21 =	sadd.s32 $0x40, s21;
	[tilespmem:s22+$0x5E00] =	vst v0  }
0x108: {  	s19 =	sadd.s32 $0x1, s19  }
0x109: {  	p0 =	sne.s32 s19, s10  }
.Ltmp2:
0x10a: {  	s20 =	sadd.s32 s2, s20;
	(pc) =	sbr.rel @p0 .LBB2_2-.Ltmp2, $4  }
0x10b: {  	[hbm4b:s20+s3] =	stream.linear.scatter [tilespmem:s17], [sflag:$0x1], $0x1F40, $0x38;
	[tilespmem:$0x7F00] =	vst v63  }
0x10c: {  	_ =	swait.ge [sflag:s13], $0x1F40  }
0x10d: {  	[sflag:s13] =	ssyncset.done $0x0  }
0x10e: {  	[sflag:s13] =	ssyncadd.s32 $0xFFFFE0C0  }
0x10f: {  	s18 =	sadd.s32 $0x1, s18  }
0x110: {  	p0 =	sne.s32 s18, s11  }
.Ltmp3:
0x111: {  	_ = 	snop;
	(pc) =	sbr.rel @p0 .LBB2_1-.Ltmp3, $1  }
0x112: {  	_ =	sdelay $0x3  }
0x113: {  	_ =	sfence.sel $0x180000  }
0x114: {  	[bflag:$0x0] =	sbarrier.arrive $0xFFFF  }
0x115: {  	p0 =	sne.s32 s5, $0x0;
	_ =	strace $0x9000004A  }
0x116: {  	s0 =	sadd.s32 @!p0 $0x100000, s0;
	[bflag:$0x2] =	sbarrier.arrive $0xFFFF  }
0x117: {  	[sflag:s0] =	ssyncadd.tile.s32 @!p0 $0x1;
	_ =	shalt  }
.Lfunc_end2:
_tile_overlayer_lowered:
.L_overlay_start_2:
0x118: {  	(tag) =	ssettag $0x2  }
0x119: {  	s0 =	rddreg [dreg:$0x0];
	s2 =	stileid.u32  }
0x11a: {  	s1 =	rddreg [dreg:$0x1];
	p0 =	sne.s32 s2, $0x0  }
0x11b: {  	s3 =	rddreg [dreg:$0x2];
	[bflag:$0x3] =	sbarrier.arrive $0xFFFF;
	s2 =	simm.s32 @!p0 $0x1C01  }
0x11c: {  	[timem:s3], [sflag:s2] =	dma.local @!p0 [hbm:s0], s1  }
0x11d: {  	s0 =	simm.s32 @!p0 $0x1  }
0x11e: {  	_ =	swait.ge @!p0 [sflag:s0], s1  }
0x11f: {  	s1 =	ssub.s32 @!p0 $0x0, s1;
	[sflag:s0] =	ssyncset.done @!p0 $0x0  }
0x120: {  	[sflag:s0] =	ssyncadd.s32 @!p0 s1  }
0x121: {  	[bflag:$0x3] =	sbarrier.arrive $0xFFFF  }
0x122: {  	_ =	shalt  }

</sc_bundles>
